<compile_context>
chip_gen: v7x
topology: tpu7x:2x2x1
jax: 0.10.2.dev20260603
libtpu: 0.0.44.dev20260713+nightly
codegen_flags: <defaults>
</compile_context>

<pallas_src>
import jax
import jax.numpy as jnp
from jax import lax
from jax.experimental import pallas as pl
from jax.experimental.pallas import tpu as pltpu
from jax.experimental.pallas import tpu_sc as plsc

N_REFLN = 1_000_000
GRID_W = 101
NC, NS = 2, 16
CHUNK = 8192
NFULL = N_REFLN // CHUNK
TAIL = N_REFLN - NFULL * CHUNK
ROUNDS = -(-NFULL // NS)
HALF = 1_000_000
NB = HALF // CHUNK
BTAIL = HALF - NB * CHUNK


def _sc_body(rasu_hbm, h_hbm, k_hbm, l_hbm, grid_hbm, obs_ref,
             half_sh, rasu_v, h_v, k_v, l_v, flat_v, oidx_v, sidx_v, ones_v,
             flat_t, oidx_t, sidx_t, ones_t,
             in_sem, g_sem, s_sem, io_sem):
  c = lax.axis_index("c")
  s = lax.axis_index("s")
  hbase = c * HALF

  @pl.loop(0, ROUNDS)
  def _init_blk(j):
    b = s + j * NS

    @pl.when(b < NB)
    def _():
      off = pl.multiple_of(b * CHUNK, CHUNK)
      pltpu.async_copy(obs_ref.at[pl.ds(hbase + off, CHUNK)], ones_v,
                       io_sem).wait()
      pltpu.async_copy(ones_v, half_sh.at[pl.ds(off, CHUNK)], io_sem).wait()

  @pl.when(s == NS - 1)
  def _():
    off = NB * CHUNK
    pltpu.async_copy(obs_ref.at[pl.ds(hbase + off, BTAIL)], ones_t,
                     io_sem).wait()
    pltpu.async_copy(ones_t, half_sh.at[pl.ds(off, BTAIL)], io_sem).wait()

  @pl.loop(0, CHUNK // 16)
  def _init_ones(i):
    ones_v[pl.ds(i * 16, 16)] = jnp.full((16,), 1.0, dtype=jnp.float32)

  @pl.loop(0, TAIL // 16)
  def _init_ones_t(i):
    ones_t[pl.ds(i * 16, 16)] = jnp.full((16,), 1.0, dtype=jnp.float32)

  plsc.subcore_barrier()

  def _compute_flat(p, dst_ref):
    ras = rasu_v[pl.ds(p, 16)]
    hh = h_v[pl.ds(p, 16)]
    kk = k_v[pl.ds(p, 16)]
    ll = l_v[pl.ds(p, 16)]
    dst_ref[pl.ds(p, 16)] = ((ras * GRID_W + hh) * GRID_W + kk) * GRID_W + ll

  def _mask_to_half(p, src_ref, dst_ref):
    diff = src_ref[pl.ds(p, 16)] - hbase
    ok = plsc.bitcast(diff, jnp.uint32) < jnp.uint32(HALF)
    dst_ref[pl.ds(p, 16)] = jnp.where(ok, diff, -1)

  def _load_chunk(cbase, n):
    cps = [
        pltpu.async_copy(rasu_hbm.at[pl.ds(cbase, n)],
                         rasu_v.at[pl.ds(0, n)], in_sem),
        pltpu.async_copy(h_hbm.at[pl.ds(cbase, n)],
                         h_v.at[pl.ds(0, n)], in_sem),
        pltpu.async_copy(k_hbm.at[pl.ds(cbase, n)],
                         k_v.at[pl.ds(0, n)], in_sem),
        pltpu.async_copy(l_hbm.at[pl.ds(cbase, n)],
                         l_v.at[pl.ds(0, n)], in_sem),
    ]
    for cp in cps:
      cp.wait()

  @pl.loop(0, ROUNDS)
  def _round(j):
    g = s + j * NS

    @pl.when(g < NFULL)
    def _():
      cbase = pl.multiple_of(g * CHUNK, CHUNK)
      _load_chunk(cbase, CHUNK)

      @pl.loop(0, CHUNK // 16, unroll=8)
      def _compute(i):
        _compute_flat(i * 16, flat_v)

      pltpu.async_copy(grid_hbm.at[flat_v], oidx_v, g_sem).wait()

      @pl.loop(0, CHUNK // 16, unroll=8)
      def _mask(i):
        _mask_to_half(i * 16, oidx_v, sidx_v)

      pltpu.async_copy(
          ones_v, half_sh.at[plsc.Indices(sidx_v, ignored_value=-1)],
          s_sem).wait()

  @pl.when(s == NS - 1)
  def _():
    tbase = NFULL * CHUNK
    _load_chunk(tbase, TAIL)

    @pl.loop(0, TAIL // 16, unroll=4)
    def _compute_t(i):
      _compute_flat(i * 16, flat_t)

    pltpu.async_copy(grid_hbm.at[flat_t], oidx_t, g_sem).wait()

    @pl.loop(0, TAIL // 16, unroll=4)
    def _mask_t(i):
      _mask_to_half(i * 16, oidx_t, sidx_t)

    pltpu.async_copy(
        ones_t, half_sh.at[plsc.Indices(sidx_t, ignored_value=-1)],
        s_sem).wait()

  plsc.subcore_barrier()

  @pl.loop(0, ROUNDS)
  def _wb_blk(j):
    b = s + j * NS

    @pl.when(b < NB)
    def _():
      off = pl.multiple_of(b * CHUNK, CHUNK)
      pltpu.async_copy(half_sh.at[pl.ds(off, CHUNK)], ones_v, io_sem).wait()
      pltpu.async_copy(ones_v, obs_ref.at[pl.ds(hbase + off, CHUNK)],
                       io_sem).wait()

  @pl.when(s == NS - 1)
  def _():
    off = NB * CHUNK
    pltpu.async_copy(half_sh.at[pl.ds(off, BTAIL)], ones_t, io_sem).wait()
    pltpu.async_copy(ones_t, obs_ref.at[pl.ds(hbase + off, BTAIL)],
                     io_sem).wait()


_mesh = plsc.VectorSubcoreMesh(core_axis_name="c", subcore_axis_name="s")

_sc_call = pl.kernel(
    _sc_body,
    out_type=(),
    mesh=_mesh,
    compiler_params=pltpu.CompilerParams(needs_layout_passes=False),
    scratch_types=[
        pltpu.VMEM_SHARED((HALF,), jnp.float32),
        pltpu.VMEM((CHUNK,), jnp.int32),
        pltpu.VMEM((CHUNK,), jnp.int32),
        pltpu.VMEM((CHUNK,), jnp.int32),
        pltpu.VMEM((CHUNK,), jnp.int32),
        pltpu.VMEM((CHUNK,), jnp.int32),
        pltpu.VMEM((CHUNK,), jnp.int32),
        pltpu.VMEM((CHUNK,), jnp.int32),
        pltpu.VMEM((CHUNK,), jnp.float32),
        pltpu.VMEM((TAIL,), jnp.int32),
        pltpu.VMEM((TAIL,), jnp.int32),
        pltpu.VMEM((TAIL,), jnp.int32),
        pltpu.VMEM((TAIL,), jnp.float32),
        pltpu.SemaphoreType.DMA,
        pltpu.SemaphoreType.DMA,
        pltpu.SemaphoreType.DMA,
        pltpu.SemaphoreType.DMA,
    ],
)


@jax.jit
def kernel(rasu_id, H, reflection_id_grid, observed):
  obs_ref = jax.new_ref(observed)
  _sc_call(rasu_id, H[:, 0], H[:, 1], H[:, 2],
           reflection_id_grid.reshape(-1), obs_ref)
  return obs_ref[...]

# --- scband reference (transcript-rebuilt; emitter-appended) ---
"""Pipeline reference for scband-posterior-base-9663676416420 (READ-ONLY COPY).

The authoritative reference and input builder live on the scoring server;
editing this copy changes nothing except your own understanding.
"""

import jax, jax.numpy as jnp
import numpy as np

N_REFLN = 1_000_000
N_RASU = 2
GRID = 101
RAC_SIZE = 2_000_000


def setup_inputs(seed: int = 0) -> dict:
    key = jax.random.key(seed)
    k1, k2, k3 = jax.random.split(key, 3)
    rasu_id = jax.random.randint(k1, (N_REFLN,), 0, N_RASU, dtype=jnp.int32)
    H = jax.random.randint(k2, (N_REFLN, 3), 0, GRID, dtype=jnp.int32)
    # reflection_id_grid maps (rasu_id, h, k, l) -> unique reflection id in [0, rac_size)
    reflection_id_grid = jax.random.randint(k3, (N_RASU, GRID, GRID, GRID), 0, RAC_SIZE, dtype=jnp.int32)
    # 'observed' buffer; float32 (1.0 == True) so the op is expressible with a differentiable scatter-set
    observed = jnp.zeros((RAC_SIZE,), dtype=jnp.float32)
    return {"rasu_id": rasu_id, "H": H, "reflection_id_grid": reflection_id_grid, "observed": observed}


def reference(rasu_id, H, reflection_id_grid, observed):
    # Faithful translation of PosteriorBase.update_observed:
    #   h, k, l = H.T
    #   observed_idx = rac.reflection_id_grid[rasu_id, h, k, l]   (4-D gather)
    #   observed[observed_idx] = True                              (scatter-overwrite)
    h = H[:, 0]
    k = H[:, 1]
    l = H[:, 2]
    observed_idx = reflection_id_grid[rasu_id, h, k, l]
    observed = observed.at[observed_idx].set(1.0)
    return observed

if __name__ == "__main__":
    import jax
    _d = setup_inputs()
    print(jax.jit(kernel)(*tuple(_d.values())))

</pallas_src>

<mosaic_0001>
#map = affine_map<(d0, d1) -> (0)>
module attributes {stable_mosaic.version = 14 : i64} {
  func.func @new_body(%arg0: i32, %arg1: i32, %arg2: memref<1000000xi32, #tpu.memory_space<hbm>>, %arg3: memref<1000000xi32, #tpu.memory_space<hbm>>, %arg4: memref<1000000xi32, #tpu.memory_space<hbm>>, %arg5: memref<1000000xi32, #tpu.memory_space<hbm>>, %arg6: memref<2060602xi32, #tpu.memory_space<hbm>>, %arg7: memref<2000000xf32, #tpu.memory_space<hbm>>, %arg8: memref<2000000xf32, #tpu.memory_space<hbm>>, %arg9: memref<1000000xf32, #tpu.memory_space<vmem_shared>>, %arg10: memref<8192xi32, #tpu.memory_space<vmem>>, %arg11: memref<8192xi32, #tpu.memory_space<vmem>>, %arg12: memref<8192xi32, #tpu.memory_space<vmem>>, %arg13: memref<8192xi32, #tpu.memory_space<vmem>>, %arg14: memref<8192xi32, #tpu.memory_space<vmem>>, %arg15: memref<8192xi32, #tpu.memory_space<vmem>>, %arg16: memref<8192xi32, #tpu.memory_space<vmem>>, %arg17: memref<8192xf32, #tpu.memory_space<vmem>>, %arg18: memref<576xi32, #tpu.memory_space<vmem>>, %arg19: memref<576xi32, #tpu.memory_space<vmem>>, %arg20: memref<576xi32, #tpu.memory_space<vmem>>, %arg21: memref<576xf32, #tpu.memory_space<vmem>>, %arg22: memref<!tpu.dma_semaphore, #tpu.memory_space<semaphore_mem>>, %arg23: memref<!tpu.dma_semaphore, #tpu.memory_space<semaphore_mem>>, %arg24: memref<!tpu.dma_semaphore, #tpu.memory_space<semaphore_mem>>, %arg25: memref<!tpu.dma_semaphore, #tpu.memory_space<semaphore_mem>>) attributes {dimension_semantics = [#tpu.dimension_semantics<core_parallel>, #tpu.dimension_semantics<subcore_parallel>], iteration_bounds = array<i64: 2, 16>, scalar_prefetch = 0 : i64, scratch_operands = 17 : i64, tpu.core_type = #tpu.core_type<sc_vector_subcore>, window_params = [{transform_indices = #map}, {transform_indices = #map}, {transform_indices = #map}, {transform_indices = #map}, {transform_indices = #map}, {transform_indices = #map}, {transform_indices = #map}]} {
    %mul3A = arith.constant 1000000 : i32
    %mul3A_0 = arith.muli %arg0, %mul3A : i32
    %scan3A = arith.constant 0 : i32
    %scan3A_1 = arith.constant 8 : i32
    %scan3A_2 = arith.addi %scan3A, %scan3A_1 : i32
    %scan3A_3 = arith.constant 1 : i32
    scf.for %scan3A_38 = %scan3A to %scan3A_2 step %scan3A_3  : i32 {
      %mul3A_39 = arith.constant 1 : i32
      %mul3A_40 = arith.muli %scan3A_38, %mul3A_39 : i32
      %add3A = arith.constant 0 : i32
      %add3A_41 = arith.addi %add3A, %mul3A_40 : i32
      %mul3A_42 = arith.constant 16 : i32
      %mul3A_43 = arith.muli %add3A_41, %mul3A_42 : i32
      %add3A_44 = arith.addi %arg1, %mul3A_43 : i32
      %lt3A = arith.constant 122 : i32
      %lt3A_45 = arith.cmpi slt, %add3A_44, %lt3A : i32
      %convert_element_type3A_46 = arith.extui %lt3A_45 : i1 to i32
      %cond3A_47 = arith.constant 0 : i32
      %cond3A_48 = arith.cmpi ne, %convert_element_type3A_46, %cond3A_47 : i32
      scf.if %cond3A_48 {
        %mul3A_49 = arith.constant 8192 : i32
        %mul3A_50 = arith.muli %add3A_44, %mul3A_49 : i32
        %multiple_of3A = tpu.assume_multiple %mul3A_50, 8192 : i32
        %add3A_51 = arith.addi %mul3A_0, %multiple_of3A : i32
        %dma_start3A = tpu.memref_slice %arg7[%add3A_51] : memref<2000000xf32, #tpu.memory_space<hbm>> -> memref<8192xf32, #tpu.memory_space<hbm>>
        %dma_start3A_52 = tpu.memref_slice %arg7[%add3A_51] : memref<2000000xf32, #tpu.memory_space<hbm>> -> memref<8192xf32, #tpu.memory_space<hbm>>
        tpu.enqueue_dma source(%dma_start3A_52 : memref<8192xf32, #tpu.memory_space<hbm>>) target(%arg17 : memref<8192xf32, #tpu.memory_space<vmem>>) target_semaphore(%arg25 : memref<!tpu.dma_semaphore, #tpu.memory_space<semaphore_mem>>)
        %dma_wait3A = tpu.memref_slice %arg7[%add3A_51] : memref<2000000xf32, #tpu.memory_space<hbm>> -> memref<8192xf32, #tpu.memory_space<hbm>>
        %dma_wait3A_53 = tpu.memref_slice %arg7[%add3A_51] : memref<2000000xf32, #tpu.memory_space<hbm>> -> memref<8192xf32, #tpu.memory_space<hbm>>
        tpu.wait_dma2 semaphore(%arg25 : memref<!tpu.dma_semaphore, #tpu.memory_space<semaphore_mem>>) src(%dma_wait3A_53 : memref<8192xf32, #tpu.memory_space<hbm>>) dst(%arg17 : memref<8192xf32, #tpu.memory_space<vmem>>)
        %dma_start3A_54 = tpu.memref_slice %arg9[%multiple_of3A] : memref<1000000xf32, #tpu.memory_space<vmem_shared>> -> memref<8192xf32, #tpu.memory_space<vmem_shared>>
        %dma_start3A_55 = tpu.memref_slice %arg9[%multiple_of3A] : memref<1000000xf32, #tpu.memory_space<vmem_shared>> -> memref<8192xf32, #tpu.memory_space<vmem_shared>>
        tpu.enqueue_dma source(%arg17 : memref<8192xf32, #tpu.memory_space<vmem>>) target(%dma_start3A_55 : memref<8192xf32, #tpu.memory_space<vmem_shared>>) target_semaphore(%arg25 : memref<!tpu.dma_semaphore, #tpu.memory_space<semaphore_mem>>)
        %dma_wait3A_56 = tpu.memref_slice %arg9[%multiple_of3A] : memref<1000000xf32, #tpu.memory_space<vmem_shared>> -> memref<8192xf32, #tpu.memory_space<vmem_shared>>
        %dma_wait3A_57 = tpu.memref_slice %arg9[%multiple_of3A] : memref<1000000xf32, #tpu.memory_space<vmem_shared>> -> memref<8192xf32, #tpu.memory_space<vmem_shared>>
        tpu.wait_dma2 semaphore(%arg25 : memref<!tpu.dma_semaphore, #tpu.memory_space<semaphore_mem>>) src(%arg17 : memref<8192xf32, #tpu.memory_space<vmem>>) dst(%dma_wait3A_57 : memref<8192xf32, #tpu.memory_space<vmem_shared>>)
      } else {
      }
    }
    %scan3A_4 = arith.constant 8 : i32
    %eq3A = arith.constant 15 : i32
    %eq3A_5 = arith.cmpi eq, %arg1, %eq3A : i32
    %convert_element_type3A = arith.extui %eq3A_5 : i1 to i32
    %cond3A = arith.constant 0 : i32
    %cond3A_6 = arith.cmpi ne, %convert_element_type3A, %cond3A : i32
    scf.if %cond3A_6 {
      %add3A = arith.constant 999424 : i32
      %add3A_38 = arith.addi %mul3A_0, %add3A : i32
      %dma_start3A = tpu.memref_slice %arg7[%add3A_38] : memref<2000000xf32, #tpu.memory_space<hbm>> -> memref<576xf32, #tpu.memory_space<hbm>>
      %dma_start3A_39 = tpu.memref_slice %arg7[%add3A_38] : memref<2000000xf32, #tpu.memory_space<hbm>> -> memref<576xf32, #tpu.memory_space<hbm>>
      tpu.enqueue_dma source(%dma_start3A_39 : memref<576xf32, #tpu.memory_space<hbm>>) target(%arg21 : memref<576xf32, #tpu.memory_space<vmem>>) target_semaphore(%arg25 : memref<!tpu.dma_semaphore, #tpu.memory_space<semaphore_mem>>)
      %dma_wait3A = tpu.memref_slice %arg7[%add3A_38] : memref<2000000xf32, #tpu.memory_space<hbm>> -> memref<576xf32, #tpu.memory_space<hbm>>
      %dma_wait3A_40 = tpu.memref_slice %arg7[%add3A_38] : memref<2000000xf32, #tpu.memory_space<hbm>> -> memref<576xf32, #tpu.memory_space<hbm>>
      tpu.wait_dma2 semaphore(%arg25 : memref<!tpu.dma_semaphore, #tpu.memory_space<semaphore_mem>>) src(%dma_wait3A_40 : memref<576xf32, #tpu.memory_space<hbm>>) dst(%arg21 : memref<576xf32, #tpu.memory_space<vmem>>)
      %dma_start3A_41 = arith.constant 999424 : i32
      %dma_start3A_42 = tpu.memref_slice %arg9[%dma_start3A_41] : memref<1000000xf32, #tpu.memory_space<vmem_shared>> -> memref<576xf32, #tpu.memory_space<vmem_shared>>
      %dma_start3A_43 = arith.constant 999424 : i32
      %dma_start3A_44 = tpu.memref_slice %arg9[%dma_start3A_43] : memref<1000000xf32, #tpu.memory_space<vmem_shared>> -> memref<576xf32, #tpu.memory_space<vmem_shared>>
      tpu.enqueue_dma source(%arg21 : memref<576xf32, #tpu.memory_space<vmem>>) target(%dma_start3A_44 : memref<576xf32, #tpu.memory_space<vmem_shared>>) target_semaphore(%arg25 : memref<!tpu.dma_semaphore, #tpu.memory_space<semaphore_mem>>)
      %dma_wait3A_45 = arith.constant 999424 : i32
      %dma_wait3A_46 = tpu.memref_slice %arg9[%dma_wait3A_45] : memref<1000000xf32, #tpu.memory_space<vmem_shared>> -> memref<576xf32, #tpu.memory_space<vmem_shared>>
      %dma_wait3A_47 = arith.constant 999424 : i32
      %dma_wait3A_48 = tpu.memref_slice %arg9[%dma_wait3A_47] : memref<1000000xf32, #tpu.memory_space<vmem_shared>> -> memref<576xf32, #tpu.memory_space<vmem_shared>>
      tpu.wait_dma2 semaphore(%arg25 : memref<!tpu.dma_semaphore, #tpu.memory_space<semaphore_mem>>) src(%arg21 : memref<576xf32, #tpu.memory_space<vmem>>) dst(%dma_wait3A_48 : memref<576xf32, #tpu.memory_space<vmem_shared>>)
    } else {
    }
    %scan3A_7 = arith.constant 0 : i32
    %scan3A_8 = arith.constant 512 : i32
    %scan3A_9 = arith.addi %scan3A_7, %scan3A_8 : i32
    %scan3A_10 = arith.constant 1 : i32
    scf.for %scan3A_38 = %scan3A_7 to %scan3A_9 step %scan3A_10  : i32 {
      %mul3A_39 = arith.constant 1 : i32
      %mul3A_40 = arith.muli %scan3A_38, %mul3A_39 : i32
      %add3A = arith.constant 0 : i32
      %add3A_41 = arith.addi %add3A, %mul3A_40 : i32
      %broadcast_in_dim3A = arith.constant 1.000000e+00 : f32
      %broadcast_in_dim3A_42 = vector.broadcast %broadcast_in_dim3A : f32 to vector<16xf32>
      %mul3A_43 = arith.constant 16 : i32
      %mul3A_44 = arith.muli %add3A_41, %mul3A_43 : i32
      %swap3A = arith.index_cast %mul3A_44 : i32 to index
      %swap3A_45 = tpu.vector_load %arg17[%swap3A] {strides = array<i32>} : memref<8192xf32, #tpu.memory_space<vmem>>, vector<16xf32>,
      tpu.vector_store %arg17[%swap3A], %broadcast_in_dim3A_42 {strides = array<i32>} : memref<8192xf32, #tpu.memory_space<vmem>>, vector<16xf32>,
    }
    %scan3A_11 = arith.constant 512 : i32
    %scan3A_12 = arith.constant 0 : i32
    %scan3A_13 = arith.constant 36 : i32
    %scan3A_14 = arith.addi %scan3A_12, %scan3A_13 : i32
    %scan3A_15 = arith.constant 1 : i32
    scf.for %scan3A_38 = %scan3A_12 to %scan3A_14 step %scan3A_15  : i32 {
      %mul3A_39 = arith.constant 1 : i32
      %mul3A_40 = arith.muli %scan3A_38, %mul3A_39 : i32
      %add3A = arith.constant 0 : i32
      %add3A_41 = arith.addi %add3A, %mul3A_40 : i32
      %broadcast_in_dim3A = arith.constant 1.000000e+00 : f32
      %broadcast_in_dim3A_42 = vector.broadcast %broadcast_in_dim3A : f32 to vector<16xf32>
      %mul3A_43 = arith.constant 16 : i32
      %mul3A_44 = arith.muli %add3A_41, %mul3A_43 : i32
      %swap3A = arith.index_cast %mul3A_44 : i32 to index
      %swap3A_45 = tpu.vector_load %arg21[%swap3A] {strides = array<i32>} : memref<576xf32, #tpu.memory_space<vmem>>, vector<16xf32>,
      tpu.vector_store %arg21[%swap3A], %broadcast_in_dim3A_42 {strides = array<i32>} : memref<576xf32, #tpu.memory_space<vmem>>, vector<16xf32>,
    }
    %scan3A_16 = arith.constant 36 : i32
    %barrier3A = arith.constant 0 : index
    tpu.barrier barrier_id(%barrier3A)
    %scan3A_17 = arith.constant 0 : i32
    %scan3A_18 = arith.constant 8 : i32
    %scan3A_19 = arith.addi %scan3A_17, %scan3A_18 : i32
    %scan3A_20 = arith.constant 1 : i32
    scf.for %scan3A_38 = %scan3A_17 to %scan3A_19 step %scan3A_20  : i32 {
      %mul3A_39 = arith.constant 1 : i32
      %mul3A_40 = arith.muli %scan3A_38, %mul3A_39 : i32
      %add3A = arith.constant 0 : i32
      %add3A_41 = arith.addi %add3A, %mul3A_40 : i32
      %mul3A_42 = arith.constant 16 : i32
      %mul3A_43 = arith.muli %add3A_41, %mul3A_42 : i32
      %add3A_44 = arith.addi %arg1, %mul3A_43 : i32
      %lt3A = arith.constant 122 : i32
      %lt3A_45 = arith.cmpi slt, %add3A_44, %lt3A : i32
      %convert_element_type3A_46 = arith.extui %lt3A_45 : i1 to i32
      %cond3A_47 = arith.constant 0 : i32
      %cond3A_48 = arith.cmpi ne, %convert_element_type3A_46, %cond3A_47 : i32
      scf.if %cond3A_48 {
        %mul3A_49 = arith.constant 8192 : i32
        %mul3A_50 = arith.muli %add3A_44, %mul3A_49 : i32
        %multiple_of3A = tpu.assume_multiple %mul3A_50, 8192 : i32
        %dma_start3A = arith.constant 0 : i32
        %dma_start3A_51 = tpu.memref_slice %arg10[%dma_start3A] : memref<8192xi32, #tpu.memory_space<vmem>> -> memref<8192xi32, #tpu.memory_space<vmem>>
        %dma_start3A_52 = tpu.memref_slice %arg2[%multiple_of3A] : memref<1000000xi32, #tpu.memory_space<hbm>> -> memref<8192xi32, #tpu.memory_space<hbm>>
        %dma_start3A_53 = arith.constant 0 : i32
        %dma_start3A_54 = tpu.memref_slice %arg10[%dma_start3A_53] : memref<8192xi32, #tpu.memory_space<vmem>> -> memref<8192xi32, #tpu.memory_space<vmem>>
        %dma_start3A_55 = tpu.memref_slice %arg2[%multiple_of3A] : memref<1000000xi32, #tpu.memory_space<hbm>> -> memref<8192xi32, #tpu.memory_space<hbm>>
        tpu.enqueue_dma source(%dma_start3A_55 : memref<8192xi32, #tpu.memory_space<hbm>>) target(%dma_start3A_54 : memref<8192xi32, #tpu.memory_space<vmem>>) target_semaphore(%arg22 : memref<!tpu.dma_semaphore, #tpu.memory_space<semaphore_mem>>)
        %dma_start3A_56 = arith.constant 0 : i32
        %dma_start3A_57 = tpu.memref_slice %arg11[%dma_start3A_56] : memref<8192xi32, #tpu.memory_space<vmem>> -> memref<8192xi32, #tpu.memory_space<vmem>>
        %dma_start3A_58 = tpu.memref_slice %arg3[%multiple_of3A] : memref<1000000xi32, #tpu.memory_space<hbm>> -> memref<8192xi32, #tpu.memory_space<hbm>>
        %dma_start3A_59 = arith.constant 0 : i32
        %dma_start3A_60 = tpu.memref_slice %arg11[%dma_start3A_59] : memref<8192xi32, #tpu.memory_space<vmem>> -> memref<8192xi32, #tpu.memory_space<vmem>>
        %dma_start3A_61 = tpu.memref_slice %arg3[%multiple_of3A] : memref<1000000xi32, #tpu.memory_space<hbm>> -> memref<8192xi32, #tpu.memory_space<hbm>>
        tpu.enqueue_dma source(%dma_start3A_61 : memref<8192xi32, #tpu.memory_space<hbm>>) target(%dma_start3A_60 : memref<8192xi32, #tpu.memory_space<vmem>>) target_semaphore(%arg22 : memref<!tpu.dma_semaphore, #tpu.memory_space<semaphore_mem>>)
        %dma_start3A_62 = arith.constant 0 : i32
        %dma_start3A_63 = tpu.memref_slice %arg12[%dma_start3A_62] : memref<8192xi32, #tpu.memory_space<vmem>> -> memref<8192xi32, #tpu.memory_space<vmem>>
        %dma_start3A_64 = tpu.memref_slice %arg4[%multiple_of3A] : memref<1000000xi32, #tpu.memory_space<hbm>> -> memref<8192xi32, #tpu.memory_space<hbm>>
        %dma_start3A_65 = arith.constant 0 : i32
        %dma_start3A_66 = tpu.memref_slice %arg12[%dma_start3A_65] : memref<8192xi32, #tpu.memory_space<vmem>> -> memref<8192xi32, #tpu.memory_space<vmem>>
        %dma_start3A_67 = tpu.memref_slice %arg4[%multiple_of3A] : memref<1000000xi32, #tpu.memory_space<hbm>> -> memref<8192xi32, #tpu.memory_space<hbm>>
        tpu.enqueue_dma source(%dma_start3A_67 : memref<8192xi32, #tpu.memory_space<hbm>>) target(%dma_start3A_66 : memref<8192xi32, #tpu.memory_space<vmem>>) target_semaphore(%arg22 : memref<!tpu.dma_semaphore, #tpu.memory_space<semaphore_mem>>)
        %dma_start3A_68 = arith.constant 0 : i32
        %dma_start3A_69 = tpu.memref_slice %arg13[%dma_start3A_68] : memref<8192xi32, #tpu.memory_space<vmem>> -> memref<8192xi32, #tpu.memory_space<vmem>>
        %dma_start3A_70 = tpu.memref_slice %arg5[%multiple_of3A] : memref<1000000xi32, #tpu.memory_space<hbm>> -> memref<8192xi32, #tpu.memory_space<hbm>>
        %dma_start3A_71 = arith.constant 0 : i32
        %dma_start3A_72 = tpu.memref_slice %arg13[%dma_start3A_71] : memref<8192xi32, #tpu.memory_space<vmem>> -> memref<8192xi32, #tpu.memory_space<vmem>>
        %dma_start3A_73 = tpu.memref_slice %arg5[%multiple_of3A] : memref<1000000xi32, #tpu.memory_space<hbm>> -> memref<8192xi32, #tpu.memory_space<hbm>>
        tpu.enqueue_dma source(%dma_start3A_73 : memref<8192xi32, #tpu.memory_space<hbm>>) target(%dma_start3A_72 : memref<8192xi32, #tpu.memory_space<vmem>>) target_semaphore(%arg22 : memref<!tpu.dma_semaphore, #tpu.memory_space<semaphore_mem>>)
        %dma_wait3A = arith.constant 0 : i32
        %dma_wait3A_74 = tpu.memref_slice %arg10[%dma_wait3A] : memref<8192xi32, #tpu.memory_space<vmem>> -> memref<8192xi32, #tpu.memory_space<vmem>>
        %dma_wait3A_75 = tpu.memref_slice %arg2[%multiple_of3A] : memref<1000000xi32, #tpu.memory_space<hbm>> -> memref<8192xi32, #tpu.memory_space<hbm>>
        %dma_wait3A_76 = arith.constant 0 : i32
        %dma_wait3A_77 = tpu.memref_slice %arg10[%dma_wait3A_76] : memref<8192xi32, #tpu.memory_space<vmem>> -> memref<8192xi32, #tpu.memory_space<vmem>>
        %dma_wait3A_78 = tpu.memref_slice %arg2[%multiple_of3A] : memref<1000000xi32, #tpu.memory_space<hbm>> -> memref<8192xi32, #tpu.memory_space<hbm>>
        tpu.wait_dma2 semaphore(%arg22 : memref<!tpu.dma_semaphore, #tpu.memory_space<semaphore_mem>>) src(%dma_wait3A_78 : memref<8192xi32, #tpu.memory_space<hbm>>) dst(%dma_wait3A_77 : memref<8192xi32, #tpu.memory_space<vmem>>)
        %dma_wait3A_79 = arith.constant 0 : i32
        %dma_wait3A_80 = tpu.memref_slice %arg11[%dma_wait3A_79] : memref<8192xi32, #tpu.memory_space<vmem>> -> memref<8192xi32, #tpu.memory_space<vmem>>
        %dma_wait3A_81 = tpu.memref_slice %arg3[%multiple_of3A] : memref<1000000xi32, #tpu.memory_space<hbm>> -> memref<8192xi32, #tpu.memory_space<hbm>>
        %dma_wait3A_82 = arith.constant 0 : i32
        %dma_wait3A_83 = tpu.memref_slice %arg11[%dma_wait3A_82] : memref<8192xi32, #tpu.memory_space<vmem>> -> memref<8192xi32, #tpu.memory_space<vmem>>
        %dma_wait3A_84 = tpu.memref_slice %arg3[%multiple_of3A] : memref<1000000xi32, #tpu.memory_space<hbm>> -> memref<8192xi32, #tpu.memory_space<hbm>>
        tpu.wait_dma2 semaphore(%arg22 : memref<!tpu.dma_semaphore, #tpu.memory_space<semaphore_mem>>) src(%dma_wait3A_84 : memref<8192xi32, #tpu.memory_space<hbm>>) dst(%dma_wait3A_83 : memref<8192xi32, #tpu.memory_space<vmem>>)
        %dma_wait3A_85 = arith.constant 0 : i32
        %dma_wait3A_86 = tpu.memref_slice %arg12[%dma_wait3A_85] : memref<8192xi32, #tpu.memory_space<vmem>> -> memref<8192xi32, #tpu.memory_space<vmem>>
        %dma_wait3A_87 = tpu.memref_slice %arg4[%multiple_of3A] : memref<1000000xi32, #tpu.memory_space<hbm>> -> memref<8192xi32, #tpu.memory_space<hbm>>
        %dma_wait3A_88 = arith.constant 0 : i32
        %dma_wait3A_89 = tpu.memref_slice %arg12[%dma_wait3A_88] : memref<8192xi32, #tpu.memory_space<vmem>> -> memref<8192xi32, #tpu.memory_space<vmem>>
        %dma_wait3A_90 = tpu.memref_slice %arg4[%multiple_of3A] : memref<1000000xi32, #tpu.memory_space<hbm>> -> memref<8192xi32, #tpu.memory_space<hbm>>
        tpu.wait_dma2 semaphore(%arg22 : memref<!tpu.dma_semaphore, #tpu.memory_space<semaphore_mem>>) src(%dma_wait3A_90 : memref<8192xi32, #tpu.memory_space<hbm>>) dst(%dma_wait3A_89 : memref<8192xi32, #tpu.memory_space<vmem>>)
        %dma_wait3A_91 = arith.constant 0 : i32
        %dma_wait3A_92 = tpu.memref_slice %arg13[%dma_wait3A_91] : memref<8192xi32, #tpu.memory_space<vmem>> -> memref<8192xi32, #tpu.memory_space<vmem>>
        %dma_wait3A_93 = tpu.memref_slice %arg5[%multiple_of3A] : memref<1000000xi32, #tpu.memory_space<hbm>> -> memref<8192xi32, #tpu.memory_space<hbm>>
        %dma_wait3A_94 = arith.constant 0 : i32
        %dma_wait3A_95 = tpu.memref_slice %arg13[%dma_wait3A_94] : memref<8192xi32, #tpu.memory_space<vmem>> -> memref<8192xi32, #tpu.memory_space<vmem>>
        %dma_wait3A_96 = tpu.memref_slice %arg5[%multiple_of3A] : memref<1000000xi32, #tpu.memory_space<hbm>> -> memref<8192xi32, #tpu.memory_space<hbm>>
        tpu.wait_dma2 semaphore(%arg22 : memref<!tpu.dma_semaphore, #tpu.memory_space<semaphore_mem>>) src(%dma_wait3A_96 : memref<8192xi32, #tpu.memory_space<hbm>>) dst(%dma_wait3A_95 : memref<8192xi32, #tpu.memory_space<vmem>>)
        %scan3A_97 = arith.constant 0 : i32
        %scan3A_98 = arith.constant 512 : i32
        %scan3A_99 = arith.addi %scan3A_97, %scan3A_98 : i32
        %scan3A_100 = arith.constant 8 : i32
        scf.for %scan3A_116 = %scan3A_97 to %scan3A_99 step %scan3A_100  : i32 {
          %mul3A_117 = arith.constant 1 : i32
          %mul3A_118 = arith.muli %scan3A_116, %mul3A_117 : i32
          %add3A_119 = arith.constant 0 : i32
          %add3A_120 = arith.addi %add3A_119, %mul3A_118 : i32
          %mul3A_121 = arith.constant 16 : i32
          %mul3A_122 = arith.muli %add3A_120, %mul3A_121 : i32
          %get3A = arith.index_cast %mul3A_122 : i32 to index
          %get3A_123 = tpu.vector_load %arg10[%get3A] {strides = array<i32>} : memref<8192xi32, #tpu.memory_space<vmem>>, vector<16xi32>,
          %get3A_124 = arith.index_cast %mul3A_122 : i32 to index
          %get3A_125 = tpu.vector_load %arg11[%get3A_124] {strides = array<i32>} : memref<8192xi32, #tpu.memory_space<vmem>>, vector<16xi32>,
          %get3A_126 = arith.index_cast %mul3A_122 : i32 to index
          %get3A_127 = tpu.vector_load %arg12[%get3A_126] {strides = array<i32>} : memref<8192xi32, #tpu.memory_space<vmem>>, vector<16xi32>,
          %get3A_128 = arith.index_cast %mul3A_122 : i32 to index
          %get3A_129 = tpu.vector_load %arg13[%get3A_128] {strides = array<i32>} : memref<8192xi32, #tpu.memory_space<vmem>>, vector<16xi32>,
          %mul3A_130 = arith.constant 101 : i32
          %mul3A_131 = vector.broadcast %mul3A_130 : i32 to vector<16xi32>
          %mul3A_132 = arith.muli %get3A_123, %mul3A_131 : vector<16xi32>
          %add3A_133 = arith.addi %mul3A_132, %get3A_125 : vector<16xi32>
          %mul3A_134 = arith.constant 101 : i32
          %mul3A_135 = vector.broadcast %mul3A_134 : i32 to vector<16xi32>
          %mul3A_136 = arith.muli %add3A_133, %mul3A_135 : vector<16xi32>
          %add3A_137 = arith.addi %mul3A_136, %get3A_127 : vector<16xi32>
          %mul3A_138 = arith.constant 101 : i32
          %mul3A_139 = vector.broadcast %mul3A_138 : i32 to vector<16xi32>
          %mul3A_140 = arith.muli %add3A_137, %mul3A_139 : vector<16xi32>
          %add3A_141 = arith.addi %mul3A_140, %get3A_129 : vector<16xi32>
          %swap3A = arith.index_cast %mul3A_122 : i32 to index
          %swap3A_142 = tpu.vector_load %arg14[%swap3A] {strides = array<i32>} : memref<8192xi32, #tpu.memory_space<vmem>>, vector<16xi32>,
          tpu.vector_store %arg14[%swap3A], %add3A_141 {strides = array<i32>} : memref<8192xi32, #tpu.memory_space<vmem>>, vector<16xi32>,
          %scan3A_143 = arith.constant 1 : i32
          %scan3A_144 = arith.addi %scan3A_116, %scan3A_143 : i32
          %mul3A_145 = arith.constant 1 : i32
          %mul3A_146 = arith.muli %scan3A_144, %mul3A_145 : i32
          %add3A_147 = arith.constant 0 : i32
          %add3A_148 = arith.addi %add3A_147, %mul3A_146 : i32
          %mul3A_149 = arith.constant 16 : i32
          %mul3A_150 = arith.muli %add3A_148, %mul3A_149 : i32
          %get3A_151 = arith.index_cast %mul3A_150 : i32 to index
          %get3A_152 = tpu.vector_load %arg10[%get3A_151] {strides = array<i32>} : memref<8192xi32, #tpu.memory_space<vmem>>, vector<16xi32>,
          %get3A_153 = arith.index_cast %mul3A_150 : i32 to index
          %get3A_154 = tpu.vector_load %arg11[%get3A_153] {strides = array<i32>} : memref<8192xi32, #tpu.memory_space<vmem>>, vector<16xi32>,
          %get3A_155 = arith.index_cast %mul3A_150 : i32 to index
          %get3A_156 = tpu.vector_load %arg12[%get3A_155] {strides = array<i32>} : memref<8192xi32, #tpu.memory_space<vmem>>, vector<16xi32>,
          %get3A_157 = arith.index_cast %mul3A_150 : i32 to index
          %get3A_158 = tpu.vector_load %arg13[%get3A_157] {strides = array<i32>} : memref<8192xi32, #tpu.memory_space<vmem>>, vector<16xi32>,
          %mul3A_159 = arith.constant 101 : i32
          %mul3A_160 = vector.broadcast %mul3A_159 : i32 to vector<16xi32>
          %mul3A_161 = arith.muli %get3A_152, %mul3A_160 : vector<16xi32>
          %add3A_162 = arith.addi %mul3A_161, %get3A_154 : vector<16xi32>
          %mul3A_163 = arith.constant 101 : i32
          %mul3A_164 = vector.broadcast %mul3A_163 : i32 to vector<16xi32>
          %mul3A_165 = arith.muli %add3A_162, %mul3A_164 : vector<16xi32>
          %add3A_166 = arith.addi %mul3A_165, %get3A_156 : vector<16xi32>
          %mul3A_167 = arith.constant 101 : i32
          %mul3A_168 = vector.broadcast %mul3A_167 : i32 to vector<16xi32>
          %mul3A_169 = arith.muli %add3A_166, %mul3A_168 : vector<16xi32>
          %add3A_170 = arith.addi %mul3A_169, %get3A_158 : vector<16xi32>
          %swap3A_171 = arith.index_cast %mul3A_150 : i32 to index
          %swap3A_172 = tpu.vector_load %arg14[%swap3A_171] {strides = array<i32>} : memref<8192xi32, #tpu.memory_space<vmem>>, vector<16xi32>,
          tpu.vector_store %arg14[%swap3A_171], %add3A_170 {strides = array<i32>} : memref<8192xi32, #tpu.memory_space<vmem>>, vector<16xi32>,
          %scan3A_173 = arith.constant 2 : i32
          %scan3A_174 = arith.addi %scan3A_116, %scan3A_173 : i32
          %mul3A_175 = arith.constant 1 : i32
          %mul3A_176 = arith.muli %scan3A_174, %mul3A_175 : i32
          %add3A_177 = arith.constant 0 : i32
          %add3A_178 = arith.addi %add3A_177, %mul3A_176 : i32
          %mul3A_179 = arith.constant 16 : i32
          %mul3A_180 = arith.muli %add3A_178, %mul3A_179 : i32
          %get3A_181 = arith.index_cast %mul3A_180 : i32 to index
          %get3A_182 = tpu.vector_load %arg10[%get3A_181] {strides = array<i32>} : memref<8192xi32, #tpu.memory_space<vmem>>, vector<16xi32>,
          %get3A_183 = arith.index_cast %mul3A_180 : i32 to index
          %get3A_184 = tpu.vector_load %arg11[%get3A_183] {strides = array<i32>} : memref<8192xi32, #tpu.memory_space<vmem>>, vector<16xi32>,
          %get3A_185 = arith.index_cast %mul3A_180 : i32 to index
          %get3A_186 = tpu.vector_load %arg12[%get3A_185] {strides = array<i32>} : memref<8192xi32, #tpu.memory_space<vmem>>, vector<16xi32>,
          %get3A_187 = arith.index_cast %mul3A_180 : i32 to index
          %get3A_188 = tpu.vector_load %arg13[%get3A_187] {strides = array<i32>} : memref<8192xi32, #tpu.memory_space<vmem>>, vector<16xi32>,
          %mul3A_189 = arith.constant 101 : i32
          %mul3A_190 = vector.broadcast %mul3A_189 : i32 to vector<16xi32>
          %mul3A_191 = arith.muli %get3A_182, %mul3A_190 : vector<16xi32>
          %add3A_192 = arith.addi %mul3A_191, %get3A_184 : vector<16xi32>
          %mul3A_193 = arith.constant 101 : i32
          %mul3A_194 = vector.broadcast %mul3A_193 : i32 to vector<16xi32>
          %mul3A_195 = arith.muli %add3A_192, %mul3A_194 : vector<16xi32>
          %add3A_196 = arith.addi %mul3A_195, %get3A_186 : vector<16xi32>
          %mul3A_197 = arith.constant 101 : i32
          %mul3A_198 = vector.broadcast %mul3A_197 : i32 to vector<16xi32>
          %mul3A_199 = arith.muli %add3A_196, %mul3A_198 : vector<16xi32>
          %add3A_200 = arith.addi %mul3A_199, %get3A_188 : vector<16xi32>
          %swap3A_201 = arith.index_cast %mul3A_180 : i32 to index
          %swap3A_202 = tpu.vector_load %arg14[%swap3A_201] {strides = array<i32>} : memref<8192xi32, #tpu.memory_space<vmem>>, vector<16xi32>,
          tpu.vector_store %arg14[%swap3A_201], %add3A_200 {strides = array<i32>} : memref<8192xi32, #tpu.memory_space<vmem>>, vector<16xi32>,
          %scan3A_203 = arith.constant 3 : i32
          %scan3A_204 = arith.addi %scan3A_116, %scan3A_203 : i32
          %mul3A_205 = arith.constant 1 : i32
          %mul3A_206 = arith.muli %scan3A_204, %mul3A_205 : i32
          %add3A_207 = arith.constant 0 : i32
          %add3A_208 = arith.addi %add3A_207, %mul3A_206 : i32
          %mul3A_209 = arith.constant 16 : i32
          %mul3A_210 = arith.muli %add3A_208, %mul3A_209 : i32
          %get3A_211 = arith.index_cast %mul3A_210 : i32 to index
          %get3A_212 = tpu.vector_load %arg10[%get3A_211] {strides = array<i32>} : memref<8192xi32, #tpu.memory_space<vmem>>, vector<16xi32>,
          %get3A_213 = arith.index_cast %mul3A_210 : i32 to index
          %get3A_214 = tpu.vector_load %arg11[%get3A_213] {strides = array<i32>} : memref<8192xi32, #tpu.memory_space<vmem>>, vector<16xi32>,
          %get3A_215 = arith.index_cast %mul3A_210 : i32 to index
          %get3A_216 = tpu.vector_load %arg12[%get3A_215] {strides = array<i32>} : memref<8192xi32, #tpu.memory_space<vmem>>, vector<16xi32>,
          %get3A_217 = arith.index_cast %mul3A_210 : i32 to index
          %get3A_218 = tpu.vector_load %arg13[%get3A_217] {strides = array<i32>} : memref<8192xi32, #tpu.memory_space<vmem>>, vector<16xi32>,
          %mul3A_219 = arith.constant 101 : i32
          %mul3A_220 = vector.broadcast %mul3A_219 : i32 to vector<16xi32>
          %mul3A_221 = arith.muli %get3A_212, %mul3A_220 : vector<16xi32>
          %add3A_222 = arith.addi %mul3A_221, %get3A_214 : vector<16xi32>
          %mul3A_223 = arith.constant 101 : i32
          %mul3A_224 = vector.broadcast %mul3A_223 : i32 to vector<16xi32>
          %mul3A_225 = arith.muli %add3A_222, %mul3A_224 : vector<16xi32>
          %add3A_226 = arith.addi %mul3A_225, %get3A_216 : vector<16xi32>
          %mul3A_227 = arith.constant 101 : i32
          %mul3A_228 = vector.broadcast %mul3A_227 : i32 to vector<16xi32>
          %mul3A_229 = arith.muli %add3A_226, %mul3A_228 : vector<16xi32>
          %add3A_230 = arith.addi %mul3A_229, %get3A_218 : vector<16xi32>
          %swap3A_231 = arith.index_cast %mul3A_210 : i32 to index
          %swap3A_232 = tpu.vector_load %arg14[%swap3A_231] {strides = array<i32>} : memref<8192xi32, #tpu.memory_space<vmem>>, vector<16xi32>,
          tpu.vector_store %arg14[%swap3A_231], %add3A_230 {strides = array<i32>} : memref<8192xi32, #tpu.memory_space<vmem>>, vector<16xi32>,
          %scan3A_233 = arith.constant 4 : i32
          %scan3A_234 = arith.addi %scan3A_116, %scan3A_233 : i32
          %mul3A_235 = arith.constant 1 : i32
          %mul3A_236 = arith.muli %scan3A_234, %mul3A_235 : i32
          %add3A_237 = arith.constant 0 : i32
          %add3A_238 = arith.addi %add3A_237, %mul3A_236 : i32
          %mul3A_239 = arith.constant 16 : i32
          %mul3A_240 = arith.muli %add3A_238, %mul3A_239 : i32
          %get3A_241 = arith.index_cast %mul3A_240 : i32 to index
          %get3A_242 = tpu.vector_load %arg10[%get3A_241] {strides = array<i32>} : memref<8192xi32, #tpu.memory_space<vmem>>, vector<16xi32>,
          %get3A_243 = arith.index_cast %mul3A_240 : i32 to index
          %get3A_244 = tpu.vector_load %arg11[%get3A_243] {strides = array<i32>} : memref<8192xi32, #tpu.memory_space<vmem>>, vector<16xi32>,
          %get3A_245 = arith.index_cast %mul3A_240 : i32 to index
          %get3A_246 = tpu.vector_load %arg12[%get3A_245] {strides = array<i32>} : memref<8192xi32, #tpu.memory_space<vmem>>, vector<16xi32>,
          %get3A_247 = arith.index_cast %mul3A_240 : i32 to index
          %get3A_248 = tpu.vector_load %arg13[%get3A_247] {strides = array<i32>} : memref<8192xi32, #tpu.memory_space<vmem>>, vector<16xi32>,
          %mul3A_249 = arith.constant 101 : i32
          %mul3A_250 = vector.broadcast %mul3A_249 : i32 to vector<16xi32>
          %mul3A_251 = arith.muli %get3A_242, %mul3A_250 : vector<16xi32>
          %add3A_252 = arith.addi %mul3A_251, %get3A_244 : vector<16xi32>
          %mul3A_253 = arith.constant 101 : i32
          %mul3A_254 = vector.broadcast %mul3A_253 : i32 to vector<16xi32>
          %mul3A_255 = arith.muli %add3A_252, %mul3A_254 : vector<16xi32>
          %add3A_256 = arith.addi %mul3A_255, %get3A_246 : vector<16xi32>
          %mul3A_257 = arith.constant 101 : i32
          %mul3A_258 = vector.broadcast %mul3A_257 : i32 to vector<16xi32>
          %mul3A_259 = arith.muli %add3A_256, %mul3A_258 : vector<16xi32>
          %add3A_260 = arith.addi %mul3A_259, %get3A_248 : vector<16xi32>
          %swap3A_261 = arith.index_cast %mul3A_240 : i32 to index
          %swap3A_262 = tpu.vector_load %arg14[%swap3A_261] {strides = array<i32>} : memref<8192xi32, #tpu.memory_space<vmem>>, vector<16xi32>,
          tpu.vector_store %arg14[%swap3A_261], %add3A_260 {strides = array<i32>} : memref<8192xi32, #tpu.memory_space<vmem>>, vector<16xi32>,
          %scan3A_263 = arith.constant 5 : i32
          %scan3A_264 = arith.addi %scan3A_116, %scan3A_263 : i32
          %mul3A_265 = arith.constant 1 : i32
          %mul3A_266 = arith.muli %scan3A_264, %mul3A_265 : i32
          %add3A_267 = arith.constant 0 : i32
          %add3A_268 = arith.addi %add3A_267, %mul3A_266 : i32
          %mul3A_269 = arith.constant 16 : i32
          %mul3A_270 = arith.muli %add3A_268, %mul3A_269 : i32
          %get3A_271 = arith.index_cast %mul3A_270 : i32 to index
          %get3A_272 = tpu.vector_load %arg10[%get3A_271] {strides = array<i32>} : memref<8192xi32, #tpu.memory_space<vmem>>, vector<16xi32>,
          %get3A_273 = arith.index_cast %mul3A_270 : i32 to index
          %get3A_274 = tpu.vector_load %arg11[%get3A_273] {strides = array<i32>} : memref<8192xi32, #tpu.memory_space<vmem>>, vector<16xi32>,
          %get3A_275 = arith.index_cast %mul3A_270 : i32 to index
          %get3A_276 = tpu.vector_load %arg12[%get3A_275] {strides = array<i32>} : memref<8192xi32, #tpu.memory_space<vmem>>, vector<16xi32>,
          %get3A_277 = arith.index_cast %mul3A_270 : i32 to index
          %get3A_278 = tpu.vector_load %arg13[%get3A_277] {strides = array<i32>} : memref<8192xi32, #tpu.memory_space<vmem>>, vector<16xi32>,
          %mul3A_279 = arith.constant 101 : i32
          %mul3A_280 = vector.broadcast %mul3A_279 : i32 to vector<16xi32>
          %mul3A_281 = arith.muli %get3A_272, %mul3A_280 : vector<16xi32>
          %add3A_282 = arith.addi %mul3A_281, %get3A_274 : vector<16xi32>
          %mul3A_283 = arith.constant 101 : i32
          %mul3A_284 = vector.broadcast %mul3A_283 : i32 to vector<16xi32>
          %mul3A_285 = arith.muli %add3A_282, %mul3A_284 : vector<16xi32>
          %add3A_286 = arith.addi %mul3A_285, %get3A_276 : vector<16xi32>
          %mul3A_287 = arith.constant 101 : i32
          %mul3A_288 = vector.broadcast %mul3A_287 : i32 to vector<16xi32>
          %mul3A_289 = arith.muli %add3A_286, %mul3A_288 : vector<16xi32>
          %add3A_290 = arith.addi %mul3A_289, %get3A_278 : vector<16xi32>
          %swap3A_291 = arith.index_cast %mul3A_270 : i32 to index
          %swap3A_292 = tpu.vector_load %arg14[%swap3A_291] {strides = array<i32>} : memref<8192xi32, #tpu.memory_space<vmem>>, vector<16xi32>,
          tpu.vector_store %arg14[%swap3A_291], %add3A_290 {strides = array<i32>} : memref<8192xi32, #tpu.memory_space<vmem>>, vector<16xi32>,
          %scan3A_293 = arith.constant 6 : i32
          %scan3A_294 = arith.addi %scan3A_116, %scan3A_293 : i32
          %mul3A_295 = arith.constant 1 : i32
          %mul3A_296 = arith.muli %scan3A_294, %mul3A_295 : i32
          %add3A_297 = arith.constant 0 : i32
          %add3A_298 = arith.addi %add3A_297, %mul3A_296 : i32
          %mul3A_299 = arith.constant 16 : i32
          %mul3A_300 = arith.muli %add3A_298, %mul3A_299 : i32
          %get3A_301 = arith.index_cast %mul3A_300 : i32 to index
          %get3A_302 = tpu.vector_load %arg10[%get3A_301] {strides = array<i32>} : memref<8192xi32, #tpu.memory_space<vmem>>, vector<16xi32>,
          %get3A_303 = arith.index_cast %mul3A_300 : i32 to index
          %get3A_304 = tpu.vector_load %arg11[%get3A_303] {strides = array<i32>} : memref<8192xi32, #tpu.memory_space<vmem>>, vector<16xi32>,
          %get3A_305 = arith.index_cast %mul3A_300 : i32 to index
          %get3A_306 = tpu.vector_load %arg12[%get3A_305] {strides = array<i32>} : memref<8192xi32, #tpu.memory_space<vmem>>, vector<16xi32>,
          %get3A_307 = arith.index_cast %mul3A_300 : i32 to index
          %get3A_308 = tpu.vector_load %arg13[%get3A_307] {strides = array<i32>} : memref<8192xi32, #tpu.memory_space<vmem>>, vector<16xi32>,
          %mul3A_309 = arith.constant 101 : i32
          %mul3A_310 = vector.broadcast %mul3A_309 : i32 to vector<16xi32>
          %mul3A_311 = arith.muli %get3A_302, %mul3A_310 : vector<16xi32>
          %add3A_312 = arith.addi %mul3A_311, %get3A_304 : vector<16xi32>
          %mul3A_313 = arith.constant 101 : i32
          %mul3A_314 = vector.broadcast %mul3A_313 : i32 to vector<16xi32>
          %mul3A_315 = arith.muli %add3A_312, %mul3A_314 : vector<16xi32>
          %add3A_316 = arith.addi %mul3A_315, %get3A_306 : vector<16xi32>
          %mul3A_317 = arith.constant 101 : i32
          %mul3A_318 = vector.broadcast %mul3A_317 : i32 to vector<16xi32>
          %mul3A_319 = arith.muli %add3A_316, %mul3A_318 : vector<16xi32>
          %add3A_320 = arith.addi %mul3A_319, %get3A_308 : vector<16xi32>
          %swap3A_321 = arith.index_cast %mul3A_300 : i32 to index
          %swap3A_322 = tpu.vector_load %arg14[%swap3A_321] {strides = array<i32>} : memref<8192xi32, #tpu.memory_space<vmem>>, vector<16xi32>,
          tpu.vector_store %arg14[%swap3A_321], %add3A_320 {strides = array<i32>} : memref<8192xi32, #tpu.memory_space<vmem>>, vector<16xi32>,
          %scan3A_323 = arith.constant 7 : i32
          %scan3A_324 = arith.addi %scan3A_116, %scan3A_323 : i32
          %mul3A_325 = arith.constant 1 : i32
          %mul3A_326 = arith.muli %scan3A_324, %mul3A_325 : i32
          %add3A_327 = arith.constant 0 : i32
          %add3A_328 = arith.addi %add3A_327, %mul3A_326 : i32
          %mul3A_329 = arith.constant 16 : i32
          %mul3A_330 = arith.muli %add3A_328, %mul3A_329 : i32
          %get3A_331 = arith.index_cast %mul3A_330 : i32 to index
          %get3A_332 = tpu.vector_load %arg10[%get3A_331] {strides = array<i32>} : memref<8192xi32, #tpu.memory_space<vmem>>, vector<16xi32>,
          %get3A_333 = arith.index_cast %mul3A_330 : i32 to index
          %get3A_334 = tpu.vector_load %arg11[%get3A_333] {strides = array<i32>} : memref<8192xi32, #tpu.memory_space<vmem>>, vector<16xi32>,
          %get3A_335 = arith.index_cast %mul3A_330 : i32 to index
          %get3A_336 = tpu.vector_load %arg12[%get3A_335] {strides = array<i32>} : memref<8192xi32, #tpu.memory_space<vmem>>, vector<16xi32>,
          %get3A_337 = arith.index_cast %mul3A_330 : i32 to index
          %get3A_338 = tpu.vector_load %arg13[%get3A_337] {strides = array<i32>} : memref<8192xi32, #tpu.memory_space<vmem>>, vector<16xi32>,
          %mul3A_339 = arith.constant 101 : i32
          %mul3A_340 = vector.broadcast %mul3A_339 : i32 to vector<16xi32>
          %mul3A_341 = arith.muli %get3A_332, %mul3A_340 : vector<16xi32>
          %add3A_342 = arith.addi %mul3A_341, %get3A_334 : vector<16xi32>
          %mul3A_343 = arith.constant 101 : i32
          %mul3A_344 = vector.broadcast %mul3A_343 : i32 to vector<16xi32>
          %mul3A_345 = arith.muli %add3A_342, %mul3A_344 : vector<16xi32>
          %add3A_346 = arith.addi %mul3A_345, %get3A_336 : vector<16xi32>
          %mul3A_347 = arith.constant 101 : i32
          %mul3A_348 = vector.broadcast %mul3A_347 : i32 to vector<16xi32>
          %mul3A_349 = arith.muli %add3A_346, %mul3A_348 : vector<16xi32>
          %add3A_350 = arith.addi %mul3A_349, %get3A_338 : vector<16xi32>
          %swap3A_351 = arith.index_cast %mul3A_330 : i32 to index
          %swap3A_352 = tpu.vector_load %arg14[%swap3A_351] {strides = array<i32>} : memref<8192xi32, #tpu.memory_space<vmem>>, vector<16xi32>,
          tpu.vector_store %arg14[%swap3A_351], %add3A_350 {strides = array<i32>} : memref<8192xi32, #tpu.memory_space<vmem>>, vector<16xi32>,
        }
        %scan3A_101 = arith.constant 512 : i32
        %dma_start3A_102 = arith.constant 0 : i32
        %dma_start3A_103 = tpu.memref_slice %arg6[%dma_start3A_102] : memref<2060602xi32, #tpu.memory_space<hbm>> -> memref<2060602xi32, #tpu.memory_space<hbm>>
        tpu.enqueue_indirect_dma source(%dma_start3A_103 : memref<2060602xi32, #tpu.memory_space<hbm>>) target(%arg15 : memref<8192xi32, #tpu.memory_space<vmem>>) offsets(%arg14 : memref<8192xi32, #tpu.memory_space<vmem>>) semaphore(%arg23 : memref<!tpu.dma_semaphore, #tpu.memory_space<semaphore_mem>>)
        %dma_wait3A_104 = arith.constant 0 : i32
        %dma_wait3A_105 = tpu.memref_slice %arg6[%dma_wait3A_104] : memref<2060602xi32, #tpu.memory_space<hbm>> -> memref<2060602xi32, #tpu.memory_space<hbm>>
        tpu.wait_indirect_dma semaphore(%arg23 : memref<!tpu.dma_semaphore, #tpu.memory_space<semaphore_mem>>) src(%dma_wait3A_105 : memref<2060602xi32, #tpu.memory_space<hbm>>) dst(%arg15 : memref<8192xi32, #tpu.memory_space<vmem>>)
        %scan3A_106 = arith.constant 0 : i32
        %scan3A_107 = arith.constant 512 : i32
        %scan3A_108 = arith.addi %scan3A_106, %scan3A_107 : i32
        %scan3A_109 = arith.constant 8 : i32
        scf.for %scan3A_116 = %scan3A_106 to %scan3A_108 step %scan3A_109  : i32 {
          %mul3A_117 = arith.constant 1 : i32
          %mul3A_118 = arith.muli %scan3A_116, %mul3A_117 : i32
          %add3A_119 = arith.constant 0 : i32
          %add3A_120 = arith.addi %add3A_119, %mul3A_118 : i32
          %mul3A_121 = arith.constant 16 : i32
          %mul3A_122 = arith.muli %add3A_120, %mul3A_121 : i32
          %get3A = arith.index_cast %mul3A_122 : i32 to index
          %get3A_123 = tpu.vector_load %arg15[%get3A] {strides = array<i32>} : memref<8192xi32, #tpu.memory_space<vmem>>, vector<16xi32>,
          %sub3A = vector.broadcast %mul3A_0 : i32 to vector<16xi32>
          %sub3A_124 = arith.subi %get3A_123, %sub3A : vector<16xi32>
          %bitcast3A = vector.bitcast %sub3A_124 : vector<16xi32> to vector<16xi32>
          %lt3A_125 = arith.constant 1000000 : i32
          %lt3A_126 = vector.broadcast %lt3A_125 : i32 to vector<16xi32>
          %lt3A_127 = arith.cmpi ult, %bitcast3A, %lt3A_126 : vector<16xi32>
          %jit3A = arith.constant -1 : i32
          %broadcast_in_dim3A = vector.broadcast %jit3A : i32 to vector<16xi32>
          %select_n3A = arith.select %lt3A_127, %sub3A_124, %broadcast_in_dim3A : vector<16xi1>, vector<16xi32>
          %swap3A = arith.index_cast %mul3A_122 : i32 to index
          %swap3A_128 = tpu.vector_load %arg16[%swap3A] {strides = array<i32>} : memref<8192xi32, #tpu.memory_space<vmem>>, vector<16xi32>,
          tpu.vector_store %arg16[%swap3A], %select_n3A {strides = array<i32>} : memref<8192xi32, #tpu.memory_space<vmem>>, vector<16xi32>,
          %scan3A_129 = arith.constant 1 : i32
          %scan3A_130 = arith.addi %scan3A_116, %scan3A_129 : i32
          %mul3A_131 = arith.constant 1 : i32
          %mul3A_132 = arith.muli %scan3A_130, %mul3A_131 : i32
          %add3A_133 = arith.constant 0 : i32
          %add3A_134 = arith.addi %add3A_133, %mul3A_132 : i32
          %mul3A_135 = arith.constant 16 : i32
          %mul3A_136 = arith.muli %add3A_134, %mul3A_135 : i32
          %get3A_137 = arith.index_cast %mul3A_136 : i32 to index
          %get3A_138 = tpu.vector_load %arg15[%get3A_137] {strides = array<i32>} : memref<8192xi32, #tpu.memory_space<vmem>>, vector<16xi32>,
          %sub3A_139 = vector.broadcast %mul3A_0 : i32 to vector<16xi32>
          %sub3A_140 = arith.subi %get3A_138, %sub3A_139 : vector<16xi32>
          %bitcast3A_141 = vector.bitcast %sub3A_140 : vector<16xi32> to vector<16xi32>
          %lt3A_142 = arith.constant 1000000 : i32
          %lt3A_143 = vector.broadcast %lt3A_142 : i32 to vector<16xi32>
          %lt3A_144 = arith.cmpi ult, %bitcast3A_141, %lt3A_143 : vector<16xi32>
          %jit3A_145 = arith.constant -1 : i32
          %broadcast_in_dim3A_146 = vector.broadcast %jit3A_145 : i32 to vector<16xi32>
          %select_n3A_147 = arith.select %lt3A_144, %sub3A_140, %broadcast_in_dim3A_146 : vector<16xi1>, vector<16xi32>
          %swap3A_148 = arith.index_cast %mul3A_136 : i32 to index
          %swap3A_149 = tpu.vector_load %arg16[%swap3A_148] {strides = array<i32>} : memref<8192xi32, #tpu.memory_space<vmem>>, vector<16xi32>,
          tpu.vector_store %arg16[%swap3A_148], %select_n3A_147 {strides = array<i32>} : memref<8192xi32, #tpu.memory_space<vmem>>, vector<16xi32>,
          %scan3A_150 = arith.constant 2 : i32
          %scan3A_151 = arith.addi %scan3A_116, %scan3A_150 : i32
          %mul3A_152 = arith.constant 1 : i32
          %mul3A_153 = arith.muli %scan3A_151, %mul3A_152 : i32
          %add3A_154 = arith.constant 0 : i32
          %add3A_155 = arith.addi %add3A_154, %mul3A_153 : i32
          %mul3A_156 = arith.constant 16 : i32
          %mul3A_157 = arith.muli %add3A_155, %mul3A_156 : i32
          %get3A_158 = arith.index_cast %mul3A_157 : i32 to index
          %get3A_159 = tpu.vector_load %arg15[%get3A_158] {strides = array<i32>} : memref<8192xi32, #tpu.memory_space<vmem>>, vector<16xi32>,
          %sub3A_160 = vector.broadcast %mul3A_0 : i32 to vector<16xi32>
          %sub3A_161 = arith.subi %get3A_159, %sub3A_160 : vector<16xi32>
          %bitcast3A_162 = vector.bitcast %sub3A_161 : vector<16xi32> to vector<16xi32>
          %lt3A_163 = arith.constant 1000000 : i32
          %lt3A_164 = vector.broadcast %lt3A_163 : i32 to vector<16xi32>
          %lt3A_165 = arith.cmpi ult, %bitcast3A_162, %lt3A_164 : vector<16xi32>
          %jit3A_166 = arith.constant -1 : i32
          %broadcast_in_dim3A_167 = vector.broadcast %jit3A_166 : i32 to vector<16xi32>
          %select_n3A_168 = arith.select %lt3A_165, %sub3A_161, %broadcast_in_dim3A_167 : vector<16xi1>, vector<16xi32>
          %swap3A_169 = arith.index_cast %mul3A_157 : i32 to index
          %swap3A_170 = tpu.vector_load %arg16[%swap3A_169] {strides = array<i32>} : memref<8192xi32, #tpu.memory_space<vmem>>, vector<16xi32>,
          tpu.vector_store %arg16[%swap3A_169], %select_n3A_168 {strides = array<i32>} : memref<8192xi32, #tpu.memory_space<vmem>>, vector<16xi32>,
          %scan3A_171 = arith.constant 3 : i32
          %scan3A_172 = arith.addi %scan3A_116, %scan3A_171 : i32
          %mul3A_173 = arith.constant 1 : i32
          %mul3A_174 = arith.muli %scan3A_172, %mul3A_173 : i32
          %add3A_175 = arith.constant 0 : i32
          %add3A_176 = arith.addi %add3A_175, %mul3A_174 : i32
          %mul3A_177 = arith.constant 16 : i32
          %mul3A_178 = arith.muli %add3A_176, %mul3A_177 : i32
          %get3A_179 = arith.index_cast %mul3A_178 : i32 to index
          %get3A_180 = tpu.vector_load %arg15[%get3A_179] {strides = array<i32>} : memref<8192xi32, #tpu.memory_space<vmem>>, vector<16xi32>,
          %sub3A_181 = vector.broadcast %mul3A_0 : i32 to vector<16xi32>
          %sub3A_182 = arith.subi %get3A_180, %sub3A_181 : vector<16xi32>
          %bitcast3A_183 = vector.bitcast %sub3A_182 : vector<16xi32> to vector<16xi32>
          %lt3A_184 = arith.constant 1000000 : i32
          %lt3A_185 = vector.broadcast %lt3A_184 : i32 to vector<16xi32>
          %lt3A_186 = arith.cmpi ult, %bitcast3A_183, %lt3A_185 : vector<16xi32>
          %jit3A_187 = arith.constant -1 : i32
          %broadcast_in_dim3A_188 = vector.broadcast %jit3A_187 : i32 to vector<16xi32>
          %select_n3A_189 = arith.select %lt3A_186, %sub3A_182, %broadcast_in_dim3A_188 : vector<16xi1>, vector<16xi32>
          %swap3A_190 = arith.index_cast %mul3A_178 : i32 to index
          %swap3A_191 = tpu.vector_load %arg16[%swap3A_190] {strides = array<i32>} : memref<8192xi32, #tpu.memory_space<vmem>>, vector<16xi32>,
          tpu.vector_store %arg16[%swap3A_190], %select_n3A_189 {strides = array<i32>} : memref<8192xi32, #tpu.memory_space<vmem>>, vector<16xi32>,
          %scan3A_192 = arith.constant 4 : i32
          %scan3A_193 = arith.addi %scan3A_116, %scan3A_192 : i32
          %mul3A_194 = arith.constant 1 : i32
          %mul3A_195 = arith.muli %scan3A_193, %mul3A_194 : i32
          %add3A_196 = arith.constant 0 : i32
          %add3A_197 = arith.addi %add3A_196, %mul3A_195 : i32
          %mul3A_198 = arith.constant 16 : i32
          %mul3A_199 = arith.muli %add3A_197, %mul3A_198 : i32
          %get3A_200 = arith.index_cast %mul3A_199 : i32 to index
          %get3A_201 = tpu.vector_load %arg15[%get3A_200] {strides = array<i32>} : memref<8192xi32, #tpu.memory_space<vmem>>, vector<16xi32>,
          %sub3A_202 = vector.broadcast %mul3A_0 : i32 to vector<16xi32>
          %sub3A_203 = arith.subi %get3A_201, %sub3A_202 : vector<16xi32>
          %bitcast3A_204 = vector.bitcast %sub3A_203 : vector<16xi32> to vector<16xi32>
          %lt3A_205 = arith.constant 1000000 : i32
          %lt3A_206 = vector.broadcast %lt3A_205 : i32 to vector<16xi32>
          %lt3A_207 = arith.cmpi ult, %bitcast3A_204, %lt3A_206 : vector<16xi32>
          %jit3A_208 = arith.constant -1 : i32
          %broadcast_in_dim3A_209 = vector.broadcast %jit3A_208 : i32 to vector<16xi32>
          %select_n3A_210 = arith.select %lt3A_207, %sub3A_203, %broadcast_in_dim3A_209 : vector<16xi1>, vector<16xi32>
          %swap3A_211 = arith.index_cast %mul3A_199 : i32 to index
          %swap3A_212 = tpu.vector_load %arg16[%swap3A_211] {strides = array<i32>} : memref<8192xi32, #tpu.memory_space<vmem>>, vector<16xi32>,
          tpu.vector_store %arg16[%swap3A_211], %select_n3A_210 {strides = array<i32>} : memref<8192xi32, #tpu.memory_space<vmem>>, vector<16xi32>,
          %scan3A_213 = arith.constant 5 : i32
          %scan3A_214 = arith.addi %scan3A_116, %scan3A_213 : i32
          %mul3A_215 = arith.constant 1 : i32
          %mul3A_216 = arith.muli %scan3A_214, %mul3A_215 : i32
          %add3A_217 = arith.constant 0 : i32
          %add3A_218 = arith.addi %add3A_217, %mul3A_216 : i32
          %mul3A_219 = arith.constant 16 : i32
          %mul3A_220 = arith.muli %add3A_218, %mul3A_219 : i32
          %get3A_221 = arith.index_cast %mul3A_220 : i32 to index
          %get3A_222 = tpu.vector_load %arg15[%get3A_221] {strides = array<i32>} : memref<8192xi32, #tpu.memory_space<vmem>>, vector<16xi32>,
          %sub3A_223 = vector.broadcast %mul3A_0 : i32 to vector<16xi32>
          %sub3A_224 = arith.subi %get3A_222, %sub3A_223 : vector<16xi32>
          %bitcast3A_225 = vector.bitcast %sub3A_224 : vector<16xi32> to vector<16xi32>
          %lt3A_226 = arith.constant 1000000 : i32
          %lt3A_227 = vector.broadcast %lt3A_226 : i32 to vector<16xi32>
          %lt3A_228 = arith.cmpi ult, %bitcast3A_225, %lt3A_227 : vector<16xi32>
          %jit3A_229 = arith.constant -1 : i32
          %broadcast_in_dim3A_230 = vector.broadcast %jit3A_229 : i32 to vector<16xi32>
          %select_n3A_231 = arith.select %lt3A_228, %sub3A_224, %broadcast_in_dim3A_230 : vector<16xi1>, vector<16xi32>
          %swap3A_232 = arith.index_cast %mul3A_220 : i32 to index
          %swap3A_233 = tpu.vector_load %arg16[%swap3A_232] {strides = array<i32>} : memref<8192xi32, #tpu.memory_space<vmem>>, vector<16xi32>,
          tpu.vector_store %arg16[%swap3A_232], %select_n3A_231 {strides = array<i32>} : memref<8192xi32, #tpu.memory_space<vmem>>, vector<16xi32>,
          %scan3A_234 = arith.constant 6 : i32
          %scan3A_235 = arith.addi %scan3A_116, %scan3A_234 : i32
          %mul3A_236 = arith.constant 1 : i32
          %mul3A_237 = arith.muli %scan3A_235, %mul3A_236 : i32
          %add3A_238 = arith.constant 0 : i32
          %add3A_239 = arith.addi %add3A_238, %mul3A_237 : i32
          %mul3A_240 = arith.constant 16 : i32
          %mul3A_241 = arith.muli %add3A_239, %mul3A_240 : i32
          %get3A_242 = arith.index_cast %mul3A_241 : i32 to index
          %get3A_243 = tpu.vector_load %arg15[%get3A_242] {strides = array<i32>} : memref<8192xi32, #tpu.memory_space<vmem>>, vector<16xi32>,
          %sub3A_244 = vector.broadcast %mul3A_0 : i32 to vector<16xi32>
          %sub3A_245 = arith.subi %get3A_243, %sub3A_244 : vector<16xi32>
          %bitcast3A_246 = vector.bitcast %sub3A_245 : vector<16xi32> to vector<16xi32>
          %lt3A_247 = arith.constant 1000000 : i32
          %lt3A_248 = vector.broadcast %lt3A_247 : i32 to vector<16xi32>
          %lt3A_249 = arith.cmpi ult, %bitcast3A_246, %lt3A_248 : vector<16xi32>
          %jit3A_250 = arith.constant -1 : i32
          %broadcast_in_dim3A_251 = vector.broadcast %jit3A_250 : i32 to vector<16xi32>
          %select_n3A_252 = arith.select %lt3A_249, %sub3A_245, %broadcast_in_dim3A_251 : vector<16xi1>, vector<16xi32>
          %swap3A_253 = arith.index_cast %mul3A_241 : i32 to index
          %swap3A_254 = tpu.vector_load %arg16[%swap3A_253] {strides = array<i32>} : memref<8192xi32, #tpu.memory_space<vmem>>, vector<16xi32>,
          tpu.vector_store %arg16[%swap3A_253], %select_n3A_252 {strides = array<i32>} : memref<8192xi32, #tpu.memory_space<vmem>>, vector<16xi32>,
          %scan3A_255 = arith.constant 7 : i32
          %scan3A_256 = arith.addi %scan3A_116, %scan3A_255 : i32
          %mul3A_257 = arith.constant 1 : i32
          %mul3A_258 = arith.muli %scan3A_256, %mul3A_257 : i32
          %add3A_259 = arith.constant 0 : i32
          %add3A_260 = arith.addi %add3A_259, %mul3A_258 : i32
          %mul3A_261 = arith.constant 16 : i32
          %mul3A_262 = arith.muli %add3A_260, %mul3A_261 : i32
          %get3A_263 = arith.index_cast %mul3A_262 : i32 to index
          %get3A_264 = tpu.vector_load %arg15[%get3A_263] {strides = array<i32>} : memref<8192xi32, #tpu.memory_space<vmem>>, vector<16xi32>,
          %sub3A_265 = vector.broadcast %mul3A_0 : i32 to vector<16xi32>
          %sub3A_266 = arith.subi %get3A_264, %sub3A_265 : vector<16xi32>
          %bitcast3A_267 = vector.bitcast %sub3A_266 : vector<16xi32> to vector<16xi32>
          %lt3A_268 = arith.constant 1000000 : i32
          %lt3A_269 = vector.broadcast %lt3A_268 : i32 to vector<16xi32>
          %lt3A_270 = arith.cmpi ult, %bitcast3A_267, %lt3A_269 : vector<16xi32>
          %jit3A_271 = arith.constant -1 : i32
          %broadcast_in_dim3A_272 = vector.broadcast %jit3A_271 : i32 to vector<16xi32>
          %select_n3A_273 = arith.select %lt3A_270, %sub3A_266, %broadcast_in_dim3A_272 : vector<16xi1>, vector<16xi32>
          %swap3A_274 = arith.index_cast %mul3A_262 : i32 to index
          %swap3A_275 = tpu.vector_load %arg16[%swap3A_274] {strides = array<i32>} : memref<8192xi32, #tpu.memory_space<vmem>>, vector<16xi32>,
          tpu.vector_store %arg16[%swap3A_274], %select_n3A_273 {strides = array<i32>} : memref<8192xi32, #tpu.memory_space<vmem>>, vector<16xi32>,
        }
        %scan3A_110 = arith.constant 512 : i32
        %dma_start3A_111 = arith.constant 0 : i32
        %dma_start3A_112 = tpu.memref_slice %arg9[%dma_start3A_111] : memref<1000000xf32, #tpu.memory_space<vmem_shared>> -> memref<1000000xf32, #tpu.memory_space<vmem_shared>>
        %dma_start3A_113 = arith.constant -1 : i32
        tpu.enqueue_indirect_dma source(%arg17 : memref<8192xf32, #tpu.memory_space<vmem>>) target(%dma_start3A_112 : memref<1000000xf32, #tpu.memory_space<vmem_shared>>) offsets(%arg16 : memref<8192xi32, #tpu.memory_space<vmem>>) offset_filter(%dma_start3A_113) semaphore(%arg24 : memref<!tpu.dma_semaphore, #tpu.memory_space<semaphore_mem>>)
        %dma_wait3A_114 = arith.constant 0 : i32
        %dma_wait3A_115 = tpu.memref_slice %arg9[%dma_wait3A_114] : memref<1000000xf32, #tpu.memory_space<vmem_shared>> -> memref<1000000xf32, #tpu.memory_space<vmem_shared>>
        tpu.wait_indirect_dma semaphore(%arg24 : memref<!tpu.dma_semaphore, #tpu.memory_space<semaphore_mem>>) src(%arg17 : memref<8192xf32, #tpu.memory_space<vmem>>) dst(%dma_wait3A_115 : memref<1000000xf32, #tpu.memory_space<vmem_shared>>)
      } else {
      }
    }
    %scan3A_21 = arith.constant 8 : i32
    %eq3A_22 = arith.constant 15 : i32
    %eq3A_23 = arith.cmpi eq, %arg1, %eq3A_22 : i32
    %convert_element_type3A_24 = arith.extui %eq3A_23 : i1 to i32
    %cond3A_25 = arith.constant 0 : i32
    %cond3A_26 = arith.cmpi ne, %convert_element_type3A_24, %cond3A_25 : i32
    scf.if %cond3A_26 {
      %dma_start3A = arith.constant 0 : i32
      %dma_start3A_38 = tpu.memref_slice %arg10[%dma_start3A] : memref<8192xi32, #tpu.memory_space<vmem>> -> memref<576xi32, #tpu.memory_space<vmem>>
      %dma_start3A_39 = arith.constant 999424 : i32
      %dma_start3A_40 = tpu.memref_slice %arg2[%dma_start3A_39] : memref<1000000xi32, #tpu.memory_space<hbm>> -> memref<576xi32, #tpu.memory_space<hbm>>
      %dma_start3A_41 = arith.constant 0 : i32
      %dma_start3A_42 = tpu.memref_slice %arg10[%dma_start3A_41] : memref<8192xi32, #tpu.memory_space<vmem>> -> memref<576xi32, #tpu.memory_space<vmem>>
      %dma_start3A_43 = arith.constant 999424 : i32
      %dma_start3A_44 = tpu.memref_slice %arg2[%dma_start3A_43] : memref<1000000xi32, #tpu.memory_space<hbm>> -> memref<576xi32, #tpu.memory_space<hbm>>
      tpu.enqueue_dma source(%dma_start3A_44 : memref<576xi32, #tpu.memory_space<hbm>>) target(%dma_start3A_42 : memref<576xi32, #tpu.memory_space<vmem>>) target_semaphore(%arg22 : memref<!tpu.dma_semaphore, #tpu.memory_space<semaphore_mem>>)
      %dma_start3A_45 = arith.constant 0 : i32
      %dma_start3A_46 = tpu.memref_slice %arg11[%dma_start3A_45] : memref<8192xi32, #tpu.memory_space<vmem>> -> memref<576xi32, #tpu.memory_space<vmem>>
      %dma_start3A_47 = arith.constant 999424 : i32
      %dma_start3A_48 = tpu.memref_slice %arg3[%dma_start3A_47] : memref<1000000xi32, #tpu.memory_space<hbm>> -> memref<576xi32, #tpu.memory_space<hbm>>
      %dma_start3A_49 = arith.constant 0 : i32
      %dma_start3A_50 = tpu.memref_slice %arg11[%dma_start3A_49] : memref<8192xi32, #tpu.memory_space<vmem>> -> memref<576xi32, #tpu.memory_space<vmem>>
      %dma_start3A_51 = arith.constant 999424 : i32
      %dma_start3A_52 = tpu.memref_slice %arg3[%dma_start3A_51] : memref<1000000xi32, #tpu.memory_space<hbm>> -> memref<576xi32, #tpu.memory_space<hbm>>
      tpu.enqueue_dma source(%dma_start3A_52 : memref<576xi32, #tpu.memory_space<hbm>>) target(%dma_start3A_50 : memref<576xi32, #tpu.memory_space<vmem>>) target_semaphore(%arg22 : memref<!tpu.dma_semaphore, #tpu.memory_space<semaphore_mem>>)
      %dma_start3A_53 = arith.constant 0 : i32
      %dma_start3A_54 = tpu.memref_slice %arg12[%dma_start3A_53] : memref<8192xi32, #tpu.memory_space<vmem>> -> memref<576xi32, #tpu.memory_space<vmem>>
      %dma_start3A_55 = arith.constant 999424 : i32
      %dma_start3A_56 = tpu.memref_slice %arg4[%dma_start3A_55] : memref<1000000xi32, #tpu.memory_space<hbm>> -> memref<576xi32, #tpu.memory_space<hbm>>
      %dma_start3A_57 = arith.constant 0 : i32
      %dma_start3A_58 = tpu.memref_slice %arg12[%dma_start3A_57] : memref<8192xi32, #tpu.memory_space<vmem>> -> memref<576xi32, #tpu.memory_space<vmem>>
      %dma_start3A_59 = arith.constant 999424 : i32
      %dma_start3A_60 = tpu.memref_slice %arg4[%dma_start3A_59] : memref<1000000xi32, #tpu.memory_space<hbm>> -> memref<576xi32, #tpu.memory_space<hbm>>
      tpu.enqueue_dma source(%dma_start3A_60 : memref<576xi32, #tpu.memory_space<hbm>>) target(%dma_start3A_58 : memref<576xi32, #tpu.memory_space<vmem>>) target_semaphore(%arg22 : memref<!tpu.dma_semaphore, #tpu.memory_space<semaphore_mem>>)
      %dma_start3A_61 = arith.constant 0 : i32
      %dma_start3A_62 = tpu.memref_slice %arg13[%dma_start3A_61] : memref<8192xi32, #tpu.memory_space<vmem>> -> memref<576xi32, #tpu.memory_space<vmem>>
      %dma_start3A_63 = arith.constant 999424 : i32
      %dma_start3A_64 = tpu.memref_slice %arg5[%dma_start3A_63] : memref<1000000xi32, #tpu.memory_space<hbm>> -> memref<576xi32, #tpu.memory_space<hbm>>
      %dma_start3A_65 = arith.constant 0 : i32
      %dma_start3A_66 = tpu.memref_slice %arg13[%dma_start3A_65] : memref<8192xi32, #tpu.memory_space<vmem>> -> memref<576xi32, #tpu.memory_space<vmem>>
      %dma_start3A_67 = arith.constant 999424 : i32
      %dma_start3A_68 = tpu.memref_slice %arg5[%dma_start3A_67] : memref<1000000xi32, #tpu.memory_space<hbm>> -> memref<576xi32, #tpu.memory_space<hbm>>
      tpu.enqueue_dma source(%dma_start3A_68 : memref<576xi32, #tpu.memory_space<hbm>>) target(%dma_start3A_66 : memref<576xi32, #tpu.memory_space<vmem>>) target_semaphore(%arg22 : memref<!tpu.dma_semaphore, #tpu.memory_space<semaphore_mem>>)
      %dma_wait3A = arith.constant 0 : i32
      %dma_wait3A_69 = tpu.memref_slice %arg10[%dma_wait3A] : memref<8192xi32, #tpu.memory_space<vmem>> -> memref<576xi32, #tpu.memory_space<vmem>>
      %dma_wait3A_70 = arith.constant 999424 : i32
      %dma_wait3A_71 = tpu.memref_slice %arg2[%dma_wait3A_70] : memref<1000000xi32, #tpu.memory_space<hbm>> -> memref<576xi32, #tpu.memory_space<hbm>>
      %dma_wait3A_72 = arith.constant 0 : i32
      %dma_wait3A_73 = tpu.memref_slice %arg10[%dma_wait3A_72] : memref<8192xi32, #tpu.memory_space<vmem>> -> memref<576xi32, #tpu.memory_space<vmem>>
      %dma_wait3A_74 = arith.constant 999424 : i32
      %dma_wait3A_75 = tpu.memref_slice %arg2[%dma_wait3A_74] : memref<1000000xi32, #tpu.memory_space<hbm>> -> memref<576xi32, #tpu.memory_space<hbm>>
      tpu.wait_dma2 semaphore(%arg22 : memref<!tpu.dma_semaphore, #tpu.memory_space<semaphore_mem>>) src(%dma_wait3A_75 : memref<576xi32, #tpu.memory_space<hbm>>) dst(%dma_wait3A_73 : memref<576xi32, #tpu.memory_space<vmem>>)
      %dma_wait3A_76 = arith.constant 0 : i32
      %dma_wait3A_77 = tpu.memref_slice %arg11[%dma_wait3A_76] : memref<8192xi32, #tpu.memory_space<vmem>> -> memref<576xi32, #tpu.memory_space<vmem>>
      %dma_wait3A_78 = arith.constant 999424 : i32
      %dma_wait3A_79 = tpu.memref_slice %arg3[%dma_wait3A_78] : memref<1000000xi32, #tpu.memory_space<hbm>> -> memref<576xi32, #tpu.memory_space<hbm>>
      %dma_wait3A_80 = arith.constant 0 : i32
      %dma_wait3A_81 = tpu.memref_slice %arg11[%dma_wait3A_80] : memref<8192xi32, #tpu.memory_space<vmem>> -> memref<576xi32, #tpu.memory_space<vmem>>
      %dma_wait3A_82 = arith.constant 999424 : i32
      %dma_wait3A_83 = tpu.memref_slice %arg3[%dma_wait3A_82] : memref<1000000xi32, #tpu.memory_space<hbm>> -> memref<576xi32, #tpu.memory_space<hbm>>
      tpu.wait_dma2 semaphore(%arg22 : memref<!tpu.dma_semaphore, #tpu.memory_space<semaphore_mem>>) src(%dma_wait3A_83 : memref<576xi32, #tpu.memory_space<hbm>>) dst(%dma_wait3A_81 : memref<576xi32, #tpu.memory_space<vmem>>)
      %dma_wait3A_84 = arith.constant 0 : i32
      %dma_wait3A_85 = tpu.memref_slice %arg12[%dma_wait3A_84] : memref<8192xi32, #tpu.memory_space<vmem>> -> memref<576xi32, #tpu.memory_space<vmem>>
      %dma_wait3A_86 = arith.constant 999424 : i32
      %dma_wait3A_87 = tpu.memref_slice %arg4[%dma_wait3A_86] : memref<1000000xi32, #tpu.memory_space<hbm>> -> memref<576xi32, #tpu.memory_space<hbm>>
      %dma_wait3A_88 = arith.constant 0 : i32
      %dma_wait3A_89 = tpu.memref_slice %arg12[%dma_wait3A_88] : memref<8192xi32, #tpu.memory_space<vmem>> -> memref<576xi32, #tpu.memory_space<vmem>>
      %dma_wait3A_90 = arith.constant 999424 : i32
      %dma_wait3A_91 = tpu.memref_slice %arg4[%dma_wait3A_90] : memref<1000000xi32, #tpu.memory_space<hbm>> -> memref<576xi32, #tpu.memory_space<hbm>>
      tpu.wait_dma2 semaphore(%arg22 : memref<!tpu.dma_semaphore, #tpu.memory_space<semaphore_mem>>) src(%dma_wait3A_91 : memref<576xi32, #tpu.memory_space<hbm>>) dst(%dma_wait3A_89 : memref<576xi32, #tpu.memory_space<vmem>>)
      %dma_wait3A_92 = arith.constant 0 : i32
      %dma_wait3A_93 = tpu.memref_slice %arg13[%dma_wait3A_92] : memref<8192xi32, #tpu.memory_space<vmem>> -> memref<576xi32, #tpu.memory_space<vmem>>
      %dma_wait3A_94 = arith.constant 999424 : i32
      %dma_wait3A_95 = tpu.memref_slice %arg5[%dma_wait3A_94] : memref<1000000xi32, #tpu.memory_space<hbm>> -> memref<576xi32, #tpu.memory_space<hbm>>
      %dma_wait3A_96 = arith.constant 0 : i32
      %dma_wait3A_97 = tpu.memref_slice %arg13[%dma_wait3A_96] : memref<8192xi32, #tpu.memory_space<vmem>> -> memref<576xi32, #tpu.memory_space<vmem>>
      %dma_wait3A_98 = arith.constant 999424 : i32
      %dma_wait3A_99 = tpu.memref_slice %arg5[%dma_wait3A_98] : memref<1000000xi32, #tpu.memory_space<hbm>> -> memref<576xi32, #tpu.memory_space<hbm>>
      tpu.wait_dma2 semaphore(%arg22 : memref<!tpu.dma_semaphore, #tpu.memory_space<semaphore_mem>>) src(%dma_wait3A_99 : memref<576xi32, #tpu.memory_space<hbm>>) dst(%dma_wait3A_97 : memref<576xi32, #tpu.memory_space<vmem>>)
      %scan3A_100 = arith.constant 0 : i32
      %scan3A_101 = arith.constant 36 : i32
      %scan3A_102 = arith.addi %scan3A_100, %scan3A_101 : i32
      %scan3A_103 = arith.constant 4 : i32
      scf.for %scan3A_119 = %scan3A_100 to %scan3A_102 step %scan3A_103  : i32 {
        %mul3A_120 = arith.constant 1 : i32
        %mul3A_121 = arith.muli %scan3A_119, %mul3A_120 : i32
        %add3A = arith.constant 0 : i32
        %add3A_122 = arith.addi %add3A, %mul3A_121 : i32
        %mul3A_123 = arith.constant 16 : i32
        %mul3A_124 = arith.muli %add3A_122, %mul3A_123 : i32
        %get3A = arith.index_cast %mul3A_124 : i32 to index
        %get3A_125 = tpu.vector_load %arg10[%get3A] {strides = array<i32>} : memref<8192xi32, #tpu.memory_space<vmem>>, vector<16xi32>,
        %get3A_126 = arith.index_cast %mul3A_124 : i32 to index
        %get3A_127 = tpu.vector_load %arg11[%get3A_126] {strides = array<i32>} : memref<8192xi32, #tpu.memory_space<vmem>>, vector<16xi32>,
        %get3A_128 = arith.index_cast %mul3A_124 : i32 to index
        %get3A_129 = tpu.vector_load %arg12[%get3A_128] {strides = array<i32>} : memref<8192xi32, #tpu.memory_space<vmem>>, vector<16xi32>,
        %get3A_130 = arith.index_cast %mul3A_124 : i32 to index
        %get3A_131 = tpu.vector_load %arg13[%get3A_130] {strides = array<i32>} : memref<8192xi32, #tpu.memory_space<vmem>>, vector<16xi32>,
        %mul3A_132 = arith.constant 101 : i32
        %mul3A_133 = vector.broadcast %mul3A_132 : i32 to vector<16xi32>
        %mul3A_134 = arith.muli %get3A_125, %mul3A_133 : vector<16xi32>
        %add3A_135 = arith.addi %mul3A_134, %get3A_127 : vector<16xi32>
        %mul3A_136 = arith.constant 101 : i32
        %mul3A_137 = vector.broadcast %mul3A_136 : i32 to vector<16xi32>
        %mul3A_138 = arith.muli %add3A_135, %mul3A_137 : vector<16xi32>
        %add3A_139 = arith.addi %mul3A_138, %get3A_129 : vector<16xi32>
        %mul3A_140 = arith.constant 101 : i32
        %mul3A_141 = vector.broadcast %mul3A_140 : i32 to vector<16xi32>
        %mul3A_142 = arith.muli %add3A_139, %mul3A_141 : vector<16xi32>
        %add3A_143 = arith.addi %mul3A_142, %get3A_131 : vector<16xi32>
        %swap3A = arith.index_cast %mul3A_124 : i32 to index
        %swap3A_144 = tpu.vector_load %arg18[%swap3A] {strides = array<i32>} : memref<576xi32, #tpu.memory_space<vmem>>, vector<16xi32>,
        tpu.vector_store %arg18[%swap3A], %add3A_143 {strides = array<i32>} : memref<576xi32, #tpu.memory_space<vmem>>, vector<16xi32>,
        %scan3A_145 = arith.constant 1 : i32
        %scan3A_146 = arith.addi %scan3A_119, %scan3A_145 : i32
        %mul3A_147 = arith.constant 1 : i32
        %mul3A_148 = arith.muli %scan3A_146, %mul3A_147 : i32
        %add3A_149 = arith.constant 0 : i32
        %add3A_150 = arith.addi %add3A_149, %mul3A_148 : i32
        %mul3A_151 = arith.constant 16 : i32
        %mul3A_152 = arith.muli %add3A_150, %mul3A_151 : i32
        %get3A_153 = arith.index_cast %mul3A_152 : i32 to index
        %get3A_154 = tpu.vector_load %arg10[%get3A_153] {strides = array<i32>} : memref<8192xi32, #tpu.memory_space<vmem>>, vector<16xi32>,
        %get3A_155 = arith.index_cast %mul3A_152 : i32 to index
        %get3A_156 = tpu.vector_load %arg11[%get3A_155] {strides = array<i32>} : memref<8192xi32, #tpu.memory_space<vmem>>, vector<16xi32>,
        %get3A_157 = arith.index_cast %mul3A_152 : i32 to index
        %get3A_158 = tpu.vector_load %arg12[%get3A_157] {strides = array<i32>} : memref<8192xi32, #tpu.memory_space<vmem>>, vector<16xi32>,
        %get3A_159 = arith.index_cast %mul3A_152 : i32 to index
        %get3A_160 = tpu.vector_load %arg13[%get3A_159] {strides = array<i32>} : memref<8192xi32, #tpu.memory_space<vmem>>, vector<16xi32>,
        %mul3A_161 = arith.constant 101 : i32
        %mul3A_162 = vector.broadcast %mul3A_161 : i32 to vector<16xi32>
        %mul3A_163 = arith.muli %get3A_154, %mul3A_162 : vector<16xi32>
        %add3A_164 = arith.addi %mul3A_163, %get3A_156 : vector<16xi32>
        %mul3A_165 = arith.constant 101 : i32
        %mul3A_166 = vector.broadcast %mul3A_165 : i32 to vector<16xi32>
        %mul3A_167 = arith.muli %add3A_164, %mul3A_166 : vector<16xi32>
        %add3A_168 = arith.addi %mul3A_167, %get3A_158 : vector<16xi32>
        %mul3A_169 = arith.constant 101 : i32
        %mul3A_170 = vector.broadcast %mul3A_169 : i32 to vector<16xi32>
        %mul3A_171 = arith.muli %add3A_168, %mul3A_170 : vector<16xi32>
        %add3A_172 = arith.addi %mul3A_171, %get3A_160 : vector<16xi32>
        %swap3A_173 = arith.index_cast %mul3A_152 : i32 to index
        %swap3A_174 = tpu.vector_load %arg18[%swap3A_173] {strides = array<i32>} : memref<576xi32, #tpu.memory_space<vmem>>, vector<16xi32>,
        tpu.vector_store %arg18[%swap3A_173], %add3A_172 {strides = array<i32>} : memref<576xi32, #tpu.memory_space<vmem>>, vector<16xi32>,
        %scan3A_175 = arith.constant 2 : i32
        %scan3A_176 = arith.addi %scan3A_119, %scan3A_175 : i32
        %mul3A_177 = arith.constant 1 : i32
        %mul3A_178 = arith.muli %scan3A_176, %mul3A_177 : i32
        %add3A_179 = arith.constant 0 : i32
        %add3A_180 = arith.addi %add3A_179, %mul3A_178 : i32
        %mul3A_181 = arith.constant 16 : i32
        %mul3A_182 = arith.muli %add3A_180, %mul3A_181 : i32
        %get3A_183 = arith.index_cast %mul3A_182 : i32 to index
        %get3A_184 = tpu.vector_load %arg10[%get3A_183] {strides = array<i32>} : memref<8192xi32, #tpu.memory_space<vmem>>, vector<16xi32>,
        %get3A_185 = arith.index_cast %mul3A_182 : i32 to index
        %get3A_186 = tpu.vector_load %arg11[%get3A_185] {strides = array<i32>} : memref<8192xi32, #tpu.memory_space<vmem>>, vector<16xi32>,
        %get3A_187 = arith.index_cast %mul3A_182 : i32 to index
        %get3A_188 = tpu.vector_load %arg12[%get3A_187] {strides = array<i32>} : memref<8192xi32, #tpu.memory_space<vmem>>, vector<16xi32>,
        %get3A_189 = arith.index_cast %mul3A_182 : i32 to index
        %get3A_190 = tpu.vector_load %arg13[%get3A_189] {strides = array<i32>} : memref<8192xi32, #tpu.memory_space<vmem>>, vector<16xi32>,
        %mul3A_191 = arith.constant 101 : i32
        %mul3A_192 = vector.broadcast %mul3A_191 : i32 to vector<16xi32>
        %mul3A_193 = arith.muli %get3A_184, %mul3A_192 : vector<16xi32>
        %add3A_194 = arith.addi %mul3A_193, %get3A_186 : vector<16xi32>
        %mul3A_195 = arith.constant 101 : i32
        %mul3A_196 = vector.broadcast %mul3A_195 : i32 to vector<16xi32>
        %mul3A_197 = arith.muli %add3A_194, %mul3A_196 : vector<16xi32>
        %add3A_198 = arith.addi %mul3A_197, %get3A_188 : vector<16xi32>
        %mul3A_199 = arith.constant 101 : i32
        %mul3A_200 = vector.broadcast %mul3A_199 : i32 to vector<16xi32>
        %mul3A_201 = arith.muli %add3A_198, %mul3A_200 : vector<16xi32>
        %add3A_202 = arith.addi %mul3A_201, %get3A_190 : vector<16xi32>
        %swap3A_203 = arith.index_cast %mul3A_182 : i32 to index
        %swap3A_204 = tpu.vector_load %arg18[%swap3A_203] {strides = array<i32>} : memref<576xi32, #tpu.memory_space<vmem>>, vector<16xi32>,
        tpu.vector_store %arg18[%swap3A_203], %add3A_202 {strides = array<i32>} : memref<576xi32, #tpu.memory_space<vmem>>, vector<16xi32>,
        %scan3A_205 = arith.constant 3 : i32
        %scan3A_206 = arith.addi %scan3A_119, %scan3A_205 : i32
        %mul3A_207 = arith.constant 1 : i32
        %mul3A_208 = arith.muli %scan3A_206, %mul3A_207 : i32
        %add3A_209 = arith.constant 0 : i32
        %add3A_210 = arith.addi %add3A_209, %mul3A_208 : i32
        %mul3A_211 = arith.constant 16 : i32
        %mul3A_212 = arith.muli %add3A_210, %mul3A_211 : i32
        %get3A_213 = arith.index_cast %mul3A_212 : i32 to index
        %get3A_214 = tpu.vector_load %arg10[%get3A_213] {strides = array<i32>} : memref<8192xi32, #tpu.memory_space<vmem>>, vector<16xi32>,
        %get3A_215 = arith.index_cast %mul3A_212 : i32 to index
        %get3A_216 = tpu.vector_load %arg11[%get3A_215] {strides = array<i32>} : memref<8192xi32, #tpu.memory_space<vmem>>, vector<16xi32>,
        %get3A_217 = arith.index_cast %mul3A_212 : i32 to index
        %get3A_218 = tpu.vector_load %arg12[%get3A_217] {strides = array<i32>} : memref<8192xi32, #tpu.memory_space<vmem>>, vector<16xi32>,
        %get3A_219 = arith.index_cast %mul3A_212 : i32 to index
        %get3A_220 = tpu.vector_load %arg13[%get3A_219] {strides = array<i32>} : memref<8192xi32, #tpu.memory_space<vmem>>, vector<16xi32>,
        %mul3A_221 = arith.constant 101 : i32
        %mul3A_222 = vector.broadcast %mul3A_221 : i32 to vector<16xi32>
        %mul3A_223 = arith.muli %get3A_214, %mul3A_222 : vector<16xi32>
        %add3A_224 = arith.addi %mul3A_223, %get3A_216 : vector<16xi32>
        %mul3A_225 = arith.constant 101 : i32
        %mul3A_226 = vector.broadcast %mul3A_225 : i32 to vector<16xi32>
        %mul3A_227 = arith.muli %add3A_224, %mul3A_226 : vector<16xi32>
        %add3A_228 = arith.addi %mul3A_227, %get3A_218 : vector<16xi32>
        %mul3A_229 = arith.constant 101 : i32
        %mul3A_230 = vector.broadcast %mul3A_229 : i32 to vector<16xi32>
        %mul3A_231 = arith.muli %add3A_228, %mul3A_230 : vector<16xi32>
        %add3A_232 = arith.addi %mul3A_231, %get3A_220 : vector<16xi32>
        %swap3A_233 = arith.index_cast %mul3A_212 : i32 to index
        %swap3A_234 = tpu.vector_load %arg18[%swap3A_233] {strides = array<i32>} : memref<576xi32, #tpu.memory_space<vmem>>, vector<16xi32>,
        tpu.vector_store %arg18[%swap3A_233], %add3A_232 {strides = array<i32>} : memref<576xi32, #tpu.memory_space<vmem>>, vector<16xi32>,
      }
      %scan3A_104 = arith.constant 36 : i32
      %dma_start3A_105 = arith.constant 0 : i32
      %dma_start3A_106 = tpu.memref_slice %arg6[%dma_start3A_105] : memref<2060602xi32, #tpu.memory_space<hbm>> -> memref<2060602xi32, #tpu.memory_space<hbm>>
      tpu.enqueue_indirect_dma source(%dma_start3A_106 : memref<2060602xi32, #tpu.memory_space<hbm>>) target(%arg19 : memref<576xi32, #tpu.memory_space<vmem>>) offsets(%arg18 : memref<576xi32, #tpu.memory_space<vmem>>) semaphore(%arg23 : memref<!tpu.dma_semaphore, #tpu.memory_space<semaphore_mem>>)
      %dma_wait3A_107 = arith.constant 0 : i32
      %dma_wait3A_108 = tpu.memref_slice %arg6[%dma_wait3A_107] : memref<2060602xi32, #tpu.memory_space<hbm>> -> memref<2060602xi32, #tpu.memory_space<hbm>>
      tpu.wait_indirect_dma semaphore(%arg23 : memref<!tpu.dma_semaphore, #tpu.memory_space<semaphore_mem>>) src(%dma_wait3A_108 : memref<2060602xi32, #tpu.memory_space<hbm>>) dst(%arg19 : memref<576xi32, #tpu.memory_space<vmem>>)
      %scan3A_109 = arith.constant 0 : i32
      %scan3A_110 = arith.constant 36 : i32
      %scan3A_111 = arith.addi %scan3A_109, %scan3A_110 : i32
      %scan3A_112 = arith.constant 4 : i32
      scf.for %scan3A_119 = %scan3A_109 to %scan3A_111 step %scan3A_112  : i32 {
        %mul3A_120 = arith.constant 1 : i32
        %mul3A_121 = arith.muli %scan3A_119, %mul3A_120 : i32
        %add3A = arith.constant 0 : i32
        %add3A_122 = arith.addi %add3A, %mul3A_121 : i32
        %mul3A_123 = arith.constant 16 : i32
        %mul3A_124 = arith.muli %add3A_122, %mul3A_123 : i32
        %get3A = arith.index_cast %mul3A_124 : i32 to index
        %get3A_125 = tpu.vector_load %arg19[%get3A] {strides = array<i32>} : memref<576xi32, #tpu.memory_space<vmem>>, vector<16xi32>,
        %sub3A = vector.broadcast %mul3A_0 : i32 to vector<16xi32>
        %sub3A_126 = arith.subi %get3A_125, %sub3A : vector<16xi32>
        %bitcast3A = vector.bitcast %sub3A_126 : vector<16xi32> to vector<16xi32>
        %lt3A = arith.constant 1000000 : i32
        %lt3A_127 = vector.broadcast %lt3A : i32 to vector<16xi32>
        %lt3A_128 = arith.cmpi ult, %bitcast3A, %lt3A_127 : vector<16xi32>
        %jit3A = arith.constant -1 : i32
        %broadcast_in_dim3A = vector.broadcast %jit3A : i32 to vector<16xi32>
        %select_n3A = arith.select %lt3A_128, %sub3A_126, %broadcast_in_dim3A : vector<16xi1>, vector<16xi32>
        %swap3A = arith.index_cast %mul3A_124 : i32 to index
        %swap3A_129 = tpu.vector_load %arg20[%swap3A] {strides = array<i32>} : memref<576xi32, #tpu.memory_space<vmem>>, vector<16xi32>,
        tpu.vector_store %arg20[%swap3A], %select_n3A {strides = array<i32>} : memref<576xi32, #tpu.memory_space<vmem>>, vector<16xi32>,
        %scan3A_130 = arith.constant 1 : i32
        %scan3A_131 = arith.addi %scan3A_119, %scan3A_130 : i32
        %mul3A_132 = arith.constant 1 : i32
        %mul3A_133 = arith.muli %scan3A_131, %mul3A_132 : i32
        %add3A_134 = arith.constant 0 : i32
        %add3A_135 = arith.addi %add3A_134, %mul3A_133 : i32
        %mul3A_136 = arith.constant 16 : i32
        %mul3A_137 = arith.muli %add3A_135, %mul3A_136 : i32
        %get3A_138 = arith.index_cast %mul3A_137 : i32 to index
        %get3A_139 = tpu.vector_load %arg19[%get3A_138] {strides = array<i32>} : memref<576xi32, #tpu.memory_space<vmem>>, vector<16xi32>,
        %sub3A_140 = vector.broadcast %mul3A_0 : i32 to vector<16xi32>
        %sub3A_141 = arith.subi %get3A_139, %sub3A_140 : vector<16xi32>
        %bitcast3A_142 = vector.bitcast %sub3A_141 : vector<16xi32> to vector<16xi32>
        %lt3A_143 = arith.constant 1000000 : i32
        %lt3A_144 = vector.broadcast %lt3A_143 : i32 to vector<16xi32>
        %lt3A_145 = arith.cmpi ult, %bitcast3A_142, %lt3A_144 : vector<16xi32>
        %jit3A_146 = arith.constant -1 : i32
        %broadcast_in_dim3A_147 = vector.broadcast %jit3A_146 : i32 to vector<16xi32>
        %select_n3A_148 = arith.select %lt3A_145, %sub3A_141, %broadcast_in_dim3A_147 : vector<16xi1>, vector<16xi32>
        %swap3A_149 = arith.index_cast %mul3A_137 : i32 to index
        %swap3A_150 = tpu.vector_load %arg20[%swap3A_149] {strides = array<i32>} : memref<576xi32, #tpu.memory_space<vmem>>, vector<16xi32>,
        tpu.vector_store %arg20[%swap3A_149], %select_n3A_148 {strides = array<i32>} : memref<576xi32, #tpu.memory_space<vmem>>, vector<16xi32>,
        %scan3A_151 = arith.constant 2 : i32
        %scan3A_152 = arith.addi %scan3A_119, %scan3A_151 : i32
        %mul3A_153 = arith.constant 1 : i32
        %mul3A_154 = arith.muli %scan3A_152, %mul3A_153 : i32
        %add3A_155 = arith.constant 0 : i32
        %add3A_156 = arith.addi %add3A_155, %mul3A_154 : i32
        %mul3A_157 = arith.constant 16 : i32
        %mul3A_158 = arith.muli %add3A_156, %mul3A_157 : i32
        %get3A_159 = arith.index_cast %mul3A_158 : i32 to index
        %get3A_160 = tpu.vector_load %arg19[%get3A_159] {strides = array<i32>} : memref<576xi32, #tpu.memory_space<vmem>>, vector<16xi32>,
        %sub3A_161 = vector.broadcast %mul3A_0 : i32 to vector<16xi32>
        %sub3A_162 = arith.subi %get3A_160, %sub3A_161 : vector<16xi32>
        %bitcast3A_163 = vector.bitcast %sub3A_162 : vector<16xi32> to vector<16xi32>
        %lt3A_164 = arith.constant 1000000 : i32
        %lt3A_165 = vector.broadcast %lt3A_164 : i32 to vector<16xi32>
        %lt3A_166 = arith.cmpi ult, %bitcast3A_163, %lt3A_165 : vector<16xi32>
        %jit3A_167 = arith.constant -1 : i32
        %broadcast_in_dim3A_168 = vector.broadcast %jit3A_167 : i32 to vector<16xi32>
        %select_n3A_169 = arith.select %lt3A_166, %sub3A_162, %broadcast_in_dim3A_168 : vector<16xi1>, vector<16xi32>
        %swap3A_170 = arith.index_cast %mul3A_158 : i32 to index
        %swap3A_171 = tpu.vector_load %arg20[%swap3A_170] {strides = array<i32>} : memref<576xi32, #tpu.memory_space<vmem>>, vector<16xi32>,
        tpu.vector_store %arg20[%swap3A_170], %select_n3A_169 {strides = array<i32>} : memref<576xi32, #tpu.memory_space<vmem>>, vector<16xi32>,
        %scan3A_172 = arith.constant 3 : i32
        %scan3A_173 = arith.addi %scan3A_119, %scan3A_172 : i32
        %mul3A_174 = arith.constant 1 : i32
        %mul3A_175 = arith.muli %scan3A_173, %mul3A_174 : i32
        %add3A_176 = arith.constant 0 : i32
        %add3A_177 = arith.addi %add3A_176, %mul3A_175 : i32
        %mul3A_178 = arith.constant 16 : i32
        %mul3A_179 = arith.muli %add3A_177, %mul3A_178 : i32
        %get3A_180 = arith.index_cast %mul3A_179 : i32 to index
        %get3A_181 = tpu.vector_load %arg19[%get3A_180] {strides = array<i32>} : memref<576xi32, #tpu.memory_space<vmem>>, vector<16xi32>,
        %sub3A_182 = vector.broadcast %mul3A_0 : i32 to vector<16xi32>
        %sub3A_183 = arith.subi %get3A_181, %sub3A_182 : vector<16xi32>
        %bitcast3A_184 = vector.bitcast %sub3A_183 : vector<16xi32> to vector<16xi32>
        %lt3A_185 = arith.constant 1000000 : i32
        %lt3A_186 = vector.broadcast %lt3A_185 : i32 to vector<16xi32>
        %lt3A_187 = arith.cmpi ult, %bitcast3A_184, %lt3A_186 : vector<16xi32>
        %jit3A_188 = arith.constant -1 : i32
        %broadcast_in_dim3A_189 = vector.broadcast %jit3A_188 : i32 to vector<16xi32>
        %select_n3A_190 = arith.select %lt3A_187, %sub3A_183, %broadcast_in_dim3A_189 : vector<16xi1>, vector<16xi32>
        %swap3A_191 = arith.index_cast %mul3A_179 : i32 to index
        %swap3A_192 = tpu.vector_load %arg20[%swap3A_191] {strides = array<i32>} : memref<576xi32, #tpu.memory_space<vmem>>, vector<16xi32>,
        tpu.vector_store %arg20[%swap3A_191], %select_n3A_190 {strides = array<i32>} : memref<576xi32, #tpu.memory_space<vmem>>, vector<16xi32>,
      }
      %scan3A_113 = arith.constant 36 : i32
      %dma_start3A_114 = arith.constant 0 : i32
      %dma_start3A_115 = tpu.memref_slice %arg9[%dma_start3A_114] : memref<1000000xf32, #tpu.memory_space<vmem_shared>> -> memref<1000000xf32, #tpu.memory_space<vmem_shared>>
      %dma_start3A_116 = arith.constant -1 : i32
      tpu.enqueue_indirect_dma source(%arg21 : memref<576xf32, #tpu.memory_space<vmem>>) target(%dma_start3A_115 : memref<1000000xf32, #tpu.memory_space<vmem_shared>>) offsets(%arg20 : memref<576xi32, #tpu.memory_space<vmem>>) offset_filter(%dma_start3A_116) semaphore(%arg24 : memref<!tpu.dma_semaphore, #tpu.memory_space<semaphore_mem>>)
      %dma_wait3A_117 = arith.constant 0 : i32
      %dma_wait3A_118 = tpu.memref_slice %arg9[%dma_wait3A_117] : memref<1000000xf32, #tpu.memory_space<vmem_shared>> -> memref<1000000xf32, #tpu.memory_space<vmem_shared>>
      tpu.wait_indirect_dma semaphore(%arg24 : memref<!tpu.dma_semaphore, #tpu.memory_space<semaphore_mem>>) src(%arg21 : memref<576xf32, #tpu.memory_space<vmem>>) dst(%dma_wait3A_118 : memref<1000000xf32, #tpu.memory_space<vmem_shared>>)
    } else {
    }
    %barrier3A_27 = arith.constant 0 : index
    tpu.barrier barrier_id(%barrier3A_27)
    %scan3A_28 = arith.constant 0 : i32
    %scan3A_29 = arith.constant 8 : i32
    %scan3A_30 = arith.addi %scan3A_28, %scan3A_29 : i32
    %scan3A_31 = arith.constant 1 : i32
    scf.for %scan3A_38 = %scan3A_28 to %scan3A_30 step %scan3A_31  : i32 {
      %mul3A_39 = arith.constant 1 : i32
      %mul3A_40 = arith.muli %scan3A_38, %mul3A_39 : i32
      %add3A = arith.constant 0 : i32
      %add3A_41 = arith.addi %add3A, %mul3A_40 : i32
      %mul3A_42 = arith.constant 16 : i32
      %mul3A_43 = arith.muli %add3A_41, %mul3A_42 : i32
      %add3A_44 = arith.addi %arg1, %mul3A_43 : i32
      %lt3A = arith.constant 122 : i32
      %lt3A_45 = arith.cmpi slt, %add3A_44, %lt3A : i32
      %convert_element_type3A_46 = arith.extui %lt3A_45 : i1 to i32
      %cond3A_47 = arith.constant 0 : i32
      %cond3A_48 = arith.cmpi ne, %convert_element_type3A_46, %cond3A_47 : i32
      scf.if %cond3A_48 {
        %mul3A_49 = arith.constant 8192 : i32
        %mul3A_50 = arith.muli %add3A_44, %mul3A_49 : i32
        %multiple_of3A = tpu.assume_multiple %mul3A_50, 8192 : i32
        %dma_start3A = tpu.memref_slice %arg9[%multiple_of3A] : memref<1000000xf32, #tpu.memory_space<vmem_shared>> -> memref<8192xf32, #tpu.memory_space<vmem_shared>>
        %dma_start3A_51 = tpu.memref_slice %arg9[%multiple_of3A] : memref<1000000xf32, #tpu.memory_space<vmem_shared>> -> memref<8192xf32, #tpu.memory_space<vmem_shared>>
        tpu.enqueue_dma source(%dma_start3A_51 : memref<8192xf32, #tpu.memory_space<vmem_shared>>) target(%arg17 : memref<8192xf32, #tpu.memory_space<vmem>>) target_semaphore(%arg25 : memref<!tpu.dma_semaphore, #tpu.memory_space<semaphore_mem>>)
        %dma_wait3A = tpu.memref_slice %arg9[%multiple_of3A] : memref<1000000xf32, #tpu.memory_space<vmem_shared>> -> memref<8192xf32, #tpu.memory_space<vmem_shared>>
        %dma_wait3A_52 = tpu.memref_slice %arg9[%multiple_of3A] : memref<1000000xf32, #tpu.memory_space<vmem_shared>> -> memref<8192xf32, #tpu.memory_space<vmem_shared>>
        tpu.wait_dma2 semaphore(%arg25 : memref<!tpu.dma_semaphore, #tpu.memory_space<semaphore_mem>>) src(%dma_wait3A_52 : memref<8192xf32, #tpu.memory_space<vmem_shared>>) dst(%arg17 : memref<8192xf32, #tpu.memory_space<vmem>>)
        %add3A_53 = arith.addi %mul3A_0, %multiple_of3A : i32
        %dma_start3A_54 = tpu.memref_slice %arg7[%add3A_53] : memref<2000000xf32, #tpu.memory_space<hbm>> -> memref<8192xf32, #tpu.memory_space<hbm>>
        %dma_start3A_55 = tpu.memref_slice %arg7[%add3A_53] : memref<2000000xf32, #tpu.memory_space<hbm>> -> memref<8192xf32, #tpu.memory_space<hbm>>
        tpu.enqueue_dma source(%arg17 : memref<8192xf32, #tpu.memory_space<vmem>>) target(%dma_start3A_55 : memref<8192xf32, #tpu.memory_space<hbm>>) target_semaphore(%arg25 : memref<!tpu.dma_semaphore, #tpu.memory_space<semaphore_mem>>)
        %dma_wait3A_56 = tpu.memref_slice %arg7[%add3A_53] : memref<2000000xf32, #tpu.memory_space<hbm>> -> memref<8192xf32, #tpu.memory_space<hbm>>
        %dma_wait3A_57 = tpu.memref_slice %arg7[%add3A_53] : memref<2000000xf32, #tpu.memory_space<hbm>> -> memref<8192xf32, #tpu.memory_space<hbm>>
        tpu.wait_dma2 semaphore(%arg25 : memref<!tpu.dma_semaphore, #tpu.memory_space<semaphore_mem>>) src(%arg17 : memref<8192xf32, #tpu.memory_space<vmem>>) dst(%dma_wait3A_57 : memref<8192xf32, #tpu.memory_space<hbm>>)
      } else {
      }
    }
    %scan3A_32 = arith.constant 8 : i32
    %eq3A_33 = arith.constant 15 : i32
    %eq3A_34 = arith.cmpi eq, %arg1, %eq3A_33 : i32
    %convert_element_type3A_35 = arith.extui %eq3A_34 : i1 to i32
    %cond3A_36 = arith.constant 0 : i32
    %cond3A_37 = arith.cmpi ne, %convert_element_type3A_35, %cond3A_36 : i32
    scf.if %cond3A_37 {
      %dma_start3A = arith.constant 999424 : i32
      %dma_start3A_38 = tpu.memref_slice %arg9[%dma_start3A] : memref<1000000xf32, #tpu.memory_space<vmem_shared>> -> memref<576xf32, #tpu.memory_space<vmem_shared>>
      %dma_start3A_39 = arith.constant 999424 : i32
      %dma_start3A_40 = tpu.memref_slice %arg9[%dma_start3A_39] : memref<1000000xf32, #tpu.memory_space<vmem_shared>> -> memref<576xf32, #tpu.memory_space<vmem_shared>>
      tpu.enqueue_dma source(%dma_start3A_40 : memref<576xf32, #tpu.memory_space<vmem_shared>>) target(%arg21 : memref<576xf32, #tpu.memory_space<vmem>>) target_semaphore(%arg25 : memref<!tpu.dma_semaphore, #tpu.memory_space<semaphore_mem>>)
      %dma_wait3A = arith.constant 999424 : i32
      %dma_wait3A_41 = tpu.memref_slice %arg9[%dma_wait3A] : memref<1000000xf32, #tpu.memory_space<vmem_shared>> -> memref<576xf32, #tpu.memory_space<vmem_shared>>
      %dma_wait3A_42 = arith.constant 999424 : i32
      %dma_wait3A_43 = tpu.memref_slice %arg9[%dma_wait3A_42] : memref<1000000xf32, #tpu.memory_space<vmem_shared>> -> memref<576xf32, #tpu.memory_space<vmem_shared>>
      tpu.wait_dma2 semaphore(%arg25 : memref<!tpu.dma_semaphore, #tpu.memory_space<semaphore_mem>>) src(%dma_wait3A_43 : memref<576xf32, #tpu.memory_space<vmem_shared>>) dst(%arg21 : memref<576xf32, #tpu.memory_space<vmem>>)
      %add3A = arith.constant 999424 : i32
      %add3A_44 = arith.addi %mul3A_0, %add3A : i32
      %dma_start3A_45 = tpu.memref_slice %arg7[%add3A_44] : memref<2000000xf32, #tpu.memory_space<hbm>> -> memref<576xf32, #tpu.memory_space<hbm>>
      %dma_start3A_46 = tpu.memref_slice %arg7[%add3A_44] : memref<2000000xf32, #tpu.memory_space<hbm>> -> memref<576xf32, #tpu.memory_space<hbm>>
      tpu.enqueue_dma source(%arg21 : memref<576xf32, #tpu.memory_space<vmem>>) target(%dma_start3A_46 : memref<576xf32, #tpu.memory_space<hbm>>) target_semaphore(%arg25 : memref<!tpu.dma_semaphore, #tpu.memory_space<semaphore_mem>>)
      %dma_wait3A_47 = tpu.memref_slice %arg7[%add3A_44] : memref<2000000xf32, #tpu.memory_space<hbm>> -> memref<576xf32, #tpu.memory_space<hbm>>
      %dma_wait3A_48 = tpu.memref_slice %arg7[%add3A_44] : memref<2000000xf32, #tpu.memory_space<hbm>> -> memref<576xf32, #tpu.memory_space<hbm>>
      tpu.wait_dma2 semaphore(%arg25 : memref<!tpu.dma_semaphore, #tpu.memory_space<semaphore_mem>>) src(%arg21 : memref<576xf32, #tpu.memory_space<vmem>>) dst(%dma_wait3A_48 : memref<576xf32, #tpu.memory_space<hbm>>)
    } else {
    }
    return
  }
}

</mosaic_0001>

<sc_bundles>
// kernel: kernel.3.cloned.1.call-start
scs
__scs_entry_jumppad:
0x0: {  	(pc) =	sbr.rel $0x88, $3  }
0x1: {  	(tag) =	ssettag $0x0;
	lr =	simm.s32 $0x1  }
0x2: {  	[smem:$0x3F9D] =	sst lr;
	_ =	strace $0xD0000000  }
0x3: {  	_ = 	snop  }
0x4: {  	_ = 	snop  }
0x5: {  	_ = 	snop  }
0x6: {  	_ = 	snop  }
0x7: {  	_ = 	snop  }
__scs_overlays_trampoline_lowered:
0x8: {  	[smem:$0x3FAC] =	sst s0  }
0x9: {  	[smem:$0x3FAD] =	sst s1  }
0xa: {  	[smem:$0x3FAE] =	sst s2  }
0xb: {  	[smem:$0x3FAF] =	sst s3  }
0xc: {  	[smem:$0x3FB0] =	sst s4  }
0xd: {  	[smem:$0x3FB1] =	sst s5  }
0xe: {  	[smem:$0x3FB2] =	sst s6  }
0xf: {  	[smem:$0x3FB3] =	sst s7  }
0x10: {  	[smem:$0x3FB4] =	sst s8  }
0x11: {  	[smem:$0x3FB5] =	sst s9;
	s0 =	simm.s32 @!p0 $0x0  }
0x12: {  	s1 =	sld [smem:$0x3F9B];
	s0 =	simm.s32 @p0 $0x1  }
0x13: {  	[smem:$0x3FB6] =	sst s0;
	s0 =	simm.s32 @!p1 $0x0  }
0x14: {  	s2 =	sld [smem:$0x3F9A];
	s0 =	simm.s32 @p1 $0x1  }
0x15: {  	[smem:$0x3FB7] =	sst s0;
	s0 =	simm.s32 @!p2 $0x0  }
0x16: {  	s3 =	sld [smem:$0x3FDB];
	s0 =	simm.s32 @p2 $0x1  }
0x17: {  	s4 =	simm.s32 $0x1BF5;
	[smem:$0x3FB9] =	sst s0  }
0x18: {  	s0 =	sld [smem:$0x3F9C];
	_ =	swait.ge [sflag:s4], $0x0  }
0x19: {  	s7 =	sld [smem:$0x3F9D]  }
0x1a: {  	s8 =	sadd.s32 $0xFFFFE003, lr  }
0x1b: {  	s9 =	sadd.s32 $0xFFFFFEF7, lr;
	s5 =	simm.s32 $0xFFFFFFFF;
	p2 =	slt.u32 s8, $0xFFFFF086  }
0x1c: {  	p1 =	slt.u32 s9, $0xF7A;
	s5 =	simm.s32 @!p2 $0x0  }
0x1d: {  	s5 =	simm.s32 @p1 $0x1;
	p0 =	seq.s32 s7, s2  }
0x1e: {  	s7 =	smul.u32 @!p0 $0xF7A, s2;
	p2 =	seq.s32 @!p0 s5, $0x0  }
0x1f: {  	s9 =	smul.u32 $0xF7A, s1;
	s8 =	simm.s32 @!p0 $0x1BF5;
	p2 =	por !p2, p0  }
0x20: {  	[sflag:s8] =	ssyncset.s32 @!p0 $0xFFFFF086;
	s6 =	sadd.s32 @!p0 s3, s7;
	s7 =	simm.s32 @!p0 $0x108  }
0x21: {  	s3 =	sadd.s32 s3, s9;
	s6 =	sadd.s32 @!p0 $0x88, s6;
	s7 =	simm.s32 @p2 $0x1082  }
0x22: {  	[simem:s7], [sflag:s8] =	dma.local @!p0 [hbm:s6], $0xF7A  }
0x23: {  	s9 =	sor.u32 $0xD0000000, s2;
	s6 =	simm.s32 $0x108;
	_ =	swait.ge @!p0 [sflag:s8], $0x0  }
0x24: {  	s3 =	sadd.s32 $0x88, s3;
	s6 =	simm.s32 @!p1 $0x1082;
	[sflag:s4] =	ssyncset.s32 $0xFFFFF086  }
0x25: {  	[simem:s6], [sflag:s4] =	dma.local [hbm:s3], $0xF7A  }
0x26: {  	[smem:$0x3F9D] =	sst s1;
	(tag) =	ssettag s2;
	_ =	strace s9  }
0x27: {  	s1 =	sld [smem:$0x3FAD]  }
0x28: {  	s2 =	sld [smem:$0x3FAE]  }
0x29: {  	s4 =	sld [smem:$0x3FB0]  }
0x2a: {  	p0 =	seq.s32 s5, $0x0;
	s5 =	sld [smem:$0x3FB1]  }
0x2b: {  	s6 =	sld [smem:$0x3FB2]  }
0x2c: {  	s7 =	sld [smem:$0x3FB3]  }
0x2d: {  	s3 =	simm.s32 $0x108;
	s8 =	sld [smem:$0x3FB4]  }
0x2e: {  	s3 =	simm.s32 @!p0 $0x1082;
	s9 =	sld [smem:$0x3FB5]  }
0x2f: {  	lr =	sadd.s32 s0, s3;
	s0 =	sld [smem:$0x3FAC]  }
0x30: {  	s3 =	sld [smem:$0x3FAF]  }
0x31: {  	[smem:$0x3FB8] =	sst s10  }
0x32: {  	s10 =	sld [smem:$0x3FB6];
	_ =	sdelay $0x3  }
0x33: {  	p0 =	seq.s32 s10, $0x1;
	s10 =	sld [smem:$0x3FB8];
	_ =	sdelay $0x3  }
0x34: {  	[smem:$0x3FB8] =	sst s10  }
0x35: {  	s10 =	sld [smem:$0x3FB7];
	_ =	sdelay $0x3  }
0x36: {  	p1 =	seq.s32 s10, $0x1;
	s10 =	sld [smem:$0x3FB8];
	_ =	sdelay $0x3  }
0x37: {  	[smem:$0x3FB8] =	sst s10  }
0x38: {  	s10 =	sld [smem:$0x3FB9]  }
0x39: {  	_ = 	snop;
	(pc) =	sbr.ind lr, $3  }
0x3a: {  	_ = 	snop  }
0x3b: {  	_ = 	snop  }
0x3c: {  	p2 =	seq.s32 s10, $0x1;
	s10 =	sld [smem:$0x3FB8]  }
0x3d: {  	_ =	shalt  }
0x3e: {  	_ =	shalt  }
0x3f: {  	_ =	shalt  }
0x40: {  	_ =	shalt  }
0x41: {  	_ =	shalt  }
0x42: {  	_ =	shalt  }
0x43: {  	_ =	shalt  }
0x44: {  	_ =	shalt  }
0x45: {  	_ =	shalt  }
0x46: {  	_ =	shalt  }
0x47: {  	_ =	shalt  }
0x48: {  	_ =	shalt  }
0x49: {  	_ =	shalt  }
0x4a: {  	_ =	shalt  }
0x4b: {  	_ =	shalt  }
0x4c: {  	_ =	shalt  }
0x4d: {  	_ =	shalt  }
0x4e: {  	_ =	shalt  }
0x4f: {  	_ =	shalt  }
0x50: {  	_ =	shalt  }
0x51: {  	_ =	shalt  }
0x52: {  	_ =	shalt  }
0x53: {  	_ =	shalt  }
0x54: {  	_ =	shalt  }
0x55: {  	_ =	shalt  }
0x56: {  	_ =	shalt  }
0x57: {  	_ =	shalt  }
0x58: {  	_ =	shalt  }
0x59: {  	_ =	shalt  }
0x5a: {  	_ =	shalt  }
0x5b: {  	_ =	shalt  }
0x5c: {  	_ =	shalt  }
0x5d: {  	_ =	shalt  }
0x5e: {  	_ =	shalt  }
0x5f: {  	_ =	shalt  }
0x60: {  	_ =	shalt  }
0x61: {  	_ =	shalt  }
0x62: {  	_ =	shalt  }
0x63: {  	_ =	shalt  }
0x64: {  	_ =	shalt  }
0x65: {  	_ =	shalt  }
0x66: {  	_ =	shalt  }
0x67: {  	_ =	shalt  }
0x68: {  	_ =	shalt  }
0x69: {  	_ =	shalt  }
0x6a: {  	_ =	shalt  }
0x6b: {  	_ =	shalt  }
0x6c: {  	_ =	shalt  }
0x6d: {  	_ =	shalt  }
0x6e: {  	_ =	shalt  }
0x6f: {  	_ =	shalt  }
0x70: {  	_ =	shalt  }
0x71: {  	_ =	shalt  }
0x72: {  	_ =	shalt  }
0x73: {  	_ =	shalt  }
0x74: {  	_ =	shalt  }
0x75: {  	_ =	shalt  }
0x76: {  	_ =	shalt  }
0x77: {  	_ =	shalt  }
0x78: {  	_ =	shalt  }
0x79: {  	_ =	shalt  }
0x7a: {  	_ =	shalt  }
0x7b: {  	_ =	shalt  }
0x7c: {  	_ =	shalt  }
0x7d: {  	_ =	shalt  }
0x7e: {  	_ =	shalt  }
0x7f: {  	_ =	shalt  }
0x80: {  	_ =	shalt  }
0x81: {  	_ =	shalt  }
0x82: {  	_ =	shalt  }
0x83: {  	_ =	shalt  }
0x84: {  	_ =	shalt  }
0x85: {  	_ =	shalt  }
0x86: {  	_ =	shalt  }
0x87: {  	_ =	shalt  }
.Lfunc_end0:
.L_simem_size_0:
called_computation_lowered:
.L_overlay_start_0:
0x88: {  	s2 =	sld [smem:$0x3FD9]  }
0x89: {  	s3 =	sld [smem:$0x3FFE];
	_ =	sdelay $0x1  }
0x8a: {  	s1 =	srdreg.scid  }
0x8b: {  	s0 =	sand.u32 $0x1, s1  }
0x8c: {  	s17 =	sshll.u32 s0, $0xA;
	s2 =	sadd.s32 s3, s2  }
0x8d: {  	s2 =	sadd.s32 s2, s17  }
0x8e: {  	[smem:$0x3FC4] =	sst s2  }
0x8f: {  	_ = 	snop  }
0x90: {  	s2 =	sld [smem:$0x3FC9]  }
0x91: {  	s18 =	sld [smem:$0x3FD0];
	(tm) =	ssettm $0x1  }
0x92: {  	s4 =	sld [smem:$0x3FFB];
	_ =	sdelay $0x3  }
0x93: {  	_ =	strace s4  }
0x94: {  	s4 =	sld [smem:$0x3FFC];
	_ =	sdelay $0x3  }
0x95: {  	_ =	strace s4  }
0x96: {  	s4 =	sld [smem:$0x3FFD];
	_ =	sdelay $0x3  }
0x97: {  	_ =	strace s4  }
0x98: {  	_ =	strace $0x8FFFFFFF  }
0x99: {  	s19 =	sld [smem:$0x3FDB];
	_ =	sdelay $0x1  }
0x9a: {  	s5 =	simm.s32 $_scs_section_size  }
0x9b: {  	s6 =	simm.s32 $_size__tile_overlayer_lowered;
	s7 =	simm.s32 $_tile_overlayer_lowered  }
0x9c: {  	s22 =	simm.s32 $0x1BFF;
	s21 =	sshll.u32 s7, $0x1;
	s4 =	sadd.s32 s5, s19  }
0x9d: {  	s8 =	simm.s32 $0x0;
	s20 =	sshll.u32 s6, $0x1;
	s6 =	sadd.s32 s21, s4  }
0x9e: {  	[timem:s8], [sflag:s22] =	dma.local [hbm:s6], s20  }
0x9f: {  	_ =	swait.ge [sflag:s22], s20  }
0xa0: {  	s5 =	ssub.s32 $0x0, s20;
	[sflag:s22] =	ssyncset.done $0x0  }
0xa1: {  	[sflag:s22] =	ssyncadd.s32 s5;
	_ =	sdelay $0x1  }
0xa2: {  	s23 =	simm.s32 $0x1B8B  }
0xa3: {  	_ =	swait.ge [sflag:s23], $0x1  }
0xa4: {  	[sflag:s23] =	ssyncset.done $0x0  }
0xa5: {  	s25 =	simm.s32 $0x1B8E;
	s24 =	sld [smem:$0x3FFE];
	[sflag:s23] =	ssyncadd.s32 $0xFFFFFFFF  }
0xa6: {  	s26 =	simm.s32 $execute0_lowered;
	[smem:$0x3FD2] =	sst s25  }
0xa7: {  	s6 =	sshll.u32 s26, $0x1;
	_ =	strace $0x80000046;
	[dreg:$0x1] =	wrdreg $0xFFFFFFFF  }
0xa8: {  	s28 =	simm.s32 $_size_execute0_lowered;
	s4 =	sadd.s32 s4, s6;
	[dreg:$0x0] =	wrdreg $0x0  }
0xa9: {  	s6 =	sshll.u32 s28, $0x1;
	[dreg:$0x2] =	wrdreg s4  }
0xaa: {  	[dreg:$0x3] =	wrdreg s6  }
0xab: {  	[dreg:$0x4] =	wrdreg $0xC0  }
0xac: {  	_ =	task [dreg:s8], $0x5FFFF  }
0xad: {  	[dreg:$0x1] =	wrdreg $0xFFFFFFFF  }
0xae: {  	[dreg:$0x0] =	wrdreg $0x60  }
0xaf: {  	[dreg:$0x2] =	wrdreg s2  }
0xb0: {  	[dreg:$0x3] =	wrdreg s24  }
0xb1: {  	[dreg:$0x4] =	wrdreg s18  }
0xb2: {  	[dreg:$0x5] =	wrdreg $0x0  }
0xb3: {  	[dreg:$0x6] =	wrdreg $0x9  }
0xb4: {  	_ =	task.clear_ibuf [dreg:s8], $0x7FFFF;
	_ =	strace $0x90000046  }
0xb5: {  	s29 =	simm.s32 $0x9;
	_ =	strace $0x80000048  }
0xb6: {  	_ =	swait.ge [sflag:s29], $0x1  }
0xb7: {  	[sflag:s29] =	ssyncadd.s32 $0xFFFFFFFF  }
0xb8: {  	_ =	strace $0x90000048  }
0xb9: {  	_ =	sfence  }
0xba: {  	s30 =	sld [smem:$0x0];
	_ =	sdelay $0x2  }
0xbb: {  	s31 =	sshll.u32 s1, $0xD;
	s1 =	sshrl.u32 s1, $0x2  }
0xbc: {  	s3 =	sand.u32 $0x4000, s31;
	s1 =	sadd.s32 s1, s30  }
0xbd: {  	s0 =	sor.u32 s3, s0;
	s1 =	sshll.u32 s1, $0x11  }
0xbe: {  	s0 =	sor.u32 s1, s0  }
0xbf: {  	s0 =	sadd.s32 $0x8F2B, s0  }
0xc0: {  	[sflag:s0] =	ssyncadd.remote.s32 $0x1  }
0xc1: {  	_ =	sfence.sel $0xFFFF  }
0xc2: {  	[dreg:$0x0] =	wrdreg $0xFFFFFFFF;
	(pc) =	sbr.abs _section_cstart, $3  }
0xc3: {  	[dreg:$0x1] =	wrdreg $0xFFFFFFFF  }
0xc4: {  	_ =	task.clear_ibuf [dreg:s8], $0x2FFFF;
	_ =	strace $0x9FFFFFFF  }
0xc5: {  	(tm) =	ssettm $0x7FFFFFFF  }
tec
execute0_lowered:
.L_overlay_start_1:
0x0: {  	(tag) =	ssettag $0x1  }
0x1: {  	s24 =	rddreg [dreg:$0x0]  }
0x2: {  	s4 =	rddreg [dreg:$0x1]  }
0x3: {  	s1 =	srdreg.scid;
	s5 =	rddreg [dreg:$0x2]  }
0x4: {  	s3 =	simm.s32 $0x0;
	s6 =	sand.u32 $0x1, s1;
	s1 =	rddreg [dreg:$0x3]  }
0x5: {  	s2 =	stileid.u32;
	[smem:$0x7FF] =	sst s3  }
0x6: {  	s16 =	sor.u32 $0x70, s2;
	p2 =	sne.s32 s2, $0xF;
	s24 =	sadd.s32 $0x1E800, s24  }
0x7: {  	s7 =	ssub.s32 $0x2, s6;
	s21 =	sshll.u32 s16, $0xD;
	_ =	strace $0x80000047  }
0x8: {  	p0 =	sgt.u32 s16, $0x79;
	s16 =	sadd.s32 $0x9B400, s4;
	[dreg:$0x14] =	wrdreg s24  }
0x9: {  	s14 =	smul.u32 $0xF4240, s6;
	s8 =	sshrl.u32 s7, $0x1;
	[dreg:$0x7] =	wrdreg s16  }
0xa: {  	p1 =	sne.s32 @p0 s2, $0xF;
	s6 =	ssub.s32 s7, s8;
	s7 =	sshll.u32 s2, $0xD  }
0xb: {  	s22 =	sshrl.u32 s14, $0x3;
	p1 =	por p1, !p0;
	s9 =	sadd.s32 s14, s7  }
0xc: {  	s10 =	sor.u32 $0x20000, s7;
	s8 =	sadd.s32 s5, s22;
	s12 =	sor.u32 $0x60000, s7  }
0xd: {  	s18 =	sor.u32 $0x80000, s7;
	s19 =	sor.u32 $0xA0000, s7;
	s20 =	sor.u32 $0xC0000, s7  }
0xe: {  	s28 =	sadd.s32 s7, s1;
	s9 =	sshrl.u32 s9, $0x3;
	s11 =	sadd.s32 s14, s10  }
0xf: {  	s13 =	sadd.s32 s14, s12;
	s0 =	sadd.s32 s14, s18;
	s15 =	sadd.s32 s14, s19  }
0x10: {  	s17 =	sadd.s32 s14, s20;
	s16 =	sadd.s32 s10, s1;
	s20 =	sadd.s32 s20, s1  }
0x11: {  	s10 =	simm.s32 $0x2;
	[dreg:$0xf] =	wrdreg s28;
	s22 =	sadd.s32 s5, s9  }
0x12: {  	s23 =	sshrl.u32 s11, $0x3;
	s11 =	sor.u32 $0x40000, s7;
	s26 =	sshrl.u32 s13, $0x3  }
0x13: {  	s13 =	sshrl.u32 s0, $0x3;
	s7 =	sadd.s32 s12, s1;
	[dreg:$0xe] =	wrdreg s20  }
0x14: {  	s12 =	simm.s32 $0x3;
	s23 =	sadd.s32 s5, s23;
	[dreg:$0x16] =	wrdreg s7  }
0x15: {  	s30 =	sadd.s32 s5, s26;
	s26 =	sadd.s32 $0x7CC00, s4;
	[dreg:$0x6] =	wrdreg s22  }
0x16: {  	s0 =	sadd.s32 s5, s13;
	s13 =	sadd.s32 $0x5E200, s4;
	[dreg:$0xb] =	wrdreg s26  }
0x17: {  	s25 =	sadd.s32 s14, s11;
	s31 =	sadd.s32 s11, s1;
	[dreg:$0xc] =	wrdreg s13  }
0x18: {  	s9 =	sshrl.u32 s25, $0x3;
	s26 =	sadd.s32 $0x1E800, s8;
	[dreg:$0x13] =	wrdreg s31  }
0x19: {  	s13 =	sadd.s32 $0x7CA00, s4;
	[dreg:$0x5] =	wrdreg s23;
	s29 =	sadd.s32 s5, s9  }
0x1a: {  	s9 =	sshrl.u32 s15, $0x3;
	s15 =	sadd.s32 s14, s21;
	[dreg:$0x8] =	wrdreg s13  }
0x1b: {  	s11 =	smov.u32 s26;
	s26 =	smov.u32 s16;
	s13 =	sadd.s32 s19, s1  }
0x1c: {  	v0 =	vmov s14;
	s19 =	simm.s32 $0x4;
	s14 =	smov.u32 s0;
	s25 =	sadd.s32 s5, s9  }
0x1d: {  	s9 =	sshrl.u32 s17, $0x3;
	s15 =	sshrl.u32 s15, $0x3;
	[dreg:$0x11] =	wrdreg s26  }
0x1e: {  	s9 =	sadd.s32 s5, s9;
	s5 =	sadd.s32 s5, s15;
	s15 =	sadd.s32 $0x3F800, s4  }
0x1f: {  	s17 =	sadd.s32 $0x800, s4;
	s4 =	sadd.s32 $0x5E000, s4;
	[dreg:$0xd] =	wrdreg s15  }
0x20: {  	s0 =	smov.u32 s25;
	s8 =	smov.u32 s9;
	[dreg:$0x9] =	wrdreg s4  }
.Ltmp0:
0x21: {  	s15 =	smax.u32 s6, $0x1;
	s9 =	sadd.s32 s21, s1;
	(pc) =	sbr.rel .LBB2_1-.Ltmp0, $4  }
0x22: {  	s21 =	sadd.s32 $0xF4000, s1;
	s2 =	smov.u32 s5;
	s4 =	simm.s32 $0xF428  }
0x23: {  	s5 =	simm.s32 $0x1;
	s6 =	smov.u32 s13;
	[dreg:$0xa] =	wrdreg s15  }
0x24: {  	s15 =	sadd.s32 s18, s1;
	s18 =	simm.s32 $0x1D428;
	[dreg:$0x10] =	wrdreg s9  }
0x25: {  	v1 =	vimm.f32 $1.000000000e+00;
	s1 =	simm.s32 $0x0;
	[dreg:$0x12] =	wrdreg s21;
	s16 =	smov.u32 s15  }
.LBB2_15:
0x26: {  	[bflag:$0x0] =	sbarrier.arrive $0xFFFF  }
0x27: {  	[tilespmem:s18], [sflag:$0x4] =	stream.linear.gather [spmem:s28], $0x2000, $0x38;
	[tilespmem:$0x1FE28] =	vst v63  }
0x28: {  	_ =	swait.ge [sflag:s19], $0x2000  }
0x29: {  	[sflag:s19] =	ssyncset.done $0x0  }
0x2a: {  	s31 =	rddreg [dreg:$0x6];
	[sflag:s19] =	ssyncadd.s32 $0xFFFFE000  }
0x2b: {  	[hbm4b:s31+s3] =	stream.linear.scatter [tilespmem:s18], [sflag:$0x4], $0x2000, $0x38;
	[tilespmem:$0x1FE28] =	vst v63  }
0x2c: {  	_ =	swait.ge [sflag:s19], $0x2000  }
0x2d: {  	[sflag:s19] =	ssyncset.done $0x0  }
0x2e: {  	[sflag:s19] =	ssyncadd.s32 $0xFFFFE000  }
0x2f: {  	[tilespmem:s18], [sflag:$0x4] =	stream.linear.gather [spmem:s26], $0x2000, $0x38;
	[tilespmem:$0x1FE28] =	vst v63  }
0x30: {  	_ =	swait.ge [sflag:s19], $0x2000  }
0x31: {  	[sflag:s19] =	ssyncset.done $0x0  }
0x32: {  	s25 =	rddreg [dreg:$0x5];
	[sflag:s19] =	ssyncadd.s32 $0xFFFFE000  }
0x33: {  	[hbm4b:s25+s3] =	stream.linear.scatter [tilespmem:s18], [sflag:$0x4], $0x2000, $0x38;
	[tilespmem:$0x1FE28] =	vst v63  }
0x34: {  	_ =	swait.ge [sflag:s19], $0x2000  }
0x35: {  	[sflag:s19] =	ssyncset.done $0x0  }
0x36: {  	[sflag:s19] =	ssyncadd.s32 $0xFFFFE000  }
0x37: {  	[tilespmem:s18], [sflag:$0x4] =	stream.linear.gather [spmem:s20], $0x2000, $0x38;
	[tilespmem:$0x1FE28] =	vst v63  }
0x38: {  	_ =	swait.ge [sflag:s19], $0x2000  }
0x39: {  	[sflag:s19] =	ssyncset.done $0x0  }
0x3a: {  	[sflag:s19] =	ssyncadd.s32 $0xFFFFE000  }
0x3b: {  	[hbm4b:s29+s3] =	stream.linear.scatter [tilespmem:s18], [sflag:$0x4], $0x2000, $0x38;
	[tilespmem:$0x1FE28] =	vst v63  }
0x3c: {  	_ =	swait.ge [sflag:s19], $0x2000  }
0x3d: {  	[sflag:s19] =	ssyncset.done $0x0  }
0x3e: {  	[sflag:s19] =	ssyncadd.s32 $0xFFFFE000  }
0x3f: {  	[tilespmem:s18], [sflag:$0x4] =	stream.linear.gather [spmem:s7], $0x2000, $0x38;
	[tilespmem:$0x1FE28] =	vst v63  }
0x40: {  	_ =	swait.ge [sflag:s19], $0x2000  }
0x41: {  	[sflag:s19] =	ssyncset.done $0x0  }
0x42: {  	[sflag:s19] =	ssyncadd.s32 $0xFFFFE000  }
0x43: {  	[hbm4b:s30+s3] =	stream.linear.scatter [tilespmem:s18], [sflag:$0x4], $0x2000, $0x38;
	[tilespmem:$0x1FE28] =	vst v63  }
0x44: {  	_ =	swait.ge [sflag:s19], $0x2000  }
0x45: {  	[sflag:s19] =	ssyncset.done $0x0  }
0x46: {  	[sflag:s19] =	ssyncadd.s32 $0xFFFFE000  }
0x47: {  	[tilespmem:s18], [sflag:$0x4] =	stream.linear.gather [spmem:s15], $0x2000, $0x38;
	[tilespmem:$0x1FE28] =	vst v63  }
0x48: {  	_ =	swait.ge [sflag:s19], $0x2000  }
0x49: {  	[sflag:s19] =	ssyncset.done $0x0  }
0x4a: {  	[sflag:s19] =	ssyncadd.s32 $0xFFFFE000  }
0x4b: {  	[hbm4b:s14+s3] =	stream.linear.scatter [tilespmem:s18], [sflag:$0x4], $0x2000, $0x38;
	[tilespmem:$0x1FE28] =	vst v63  }
0x4c: {  	_ =	swait.ge [sflag:s19], $0x2000  }
0x4d: {  	[sflag:s19] =	ssyncset.done $0x0  }
0x4e: {  	[sflag:s19] =	ssyncadd.s32 $0xFFFFE000  }
0x4f: {  	[tilespmem:s18], [sflag:$0x4] =	stream.linear.gather [spmem:s13], $0x2000, $0x38;
	[tilespmem:$0x1FE28] =	vst v63  }
0x50: {  	_ =	swait.ge [sflag:s19], $0x2000  }
0x51: {  	[sflag:s19] =	ssyncset.done $0x0  }
0x52: {  	[sflag:s19] =	ssyncadd.s32 $0xFFFFE000  }
0x53: {  	[hbm4b:s0+s3] =	stream.linear.scatter [tilespmem:s18], [sflag:$0x4], $0x2000, $0x38;
	[tilespmem:$0x1FE28] =	vst v63  }
0x54: {  	_ =	swait.ge [sflag:s19], $0x2000  }
0x55: {  	[sflag:s19] =	ssyncset.done $0x0  }
0x56: {  	s4 =	smov.u32 s17;
	s17 =	rddreg [dreg:$0xe];
	[sflag:s19] =	ssyncadd.s32 $0xFFFFE000  }
0x57: {  	[tilespmem:s18], [sflag:$0x4] =	stream.linear.gather [spmem:s17], $0x2000, $0x38;
	[tilespmem:$0x1FE28] =	vst v63  }
0x58: {  	_ =	swait.ge [sflag:s19], $0x2000  }
0x59: {  	[sflag:s19] =	ssyncset.done $0x0  }
0x5a: {  	[sflag:s19] =	ssyncadd.s32 $0xFFFFE000  }
0x5b: {  	[hbm4b:s8+s3] =	stream.linear.scatter [tilespmem:s18], [sflag:$0x4], $0x2000, $0x38;
	[tilespmem:$0x1FE28] =	vst v63  }
0x5c: {  	_ =	swait.ge [sflag:s19], $0x2000  }
0x5d: {  	s22 =	simm.s32 @!p1 $0x1FBA8;
	[sflag:s19] =	ssyncset.done $0x0  }
0x5e: {  	s23 =	simm.s32 @!p1 $0x4;
	s21 =	rddreg [dreg:$0x12];
	[sflag:s19] =	ssyncadd.s32 $0xFFFFE000  }
0x5f: {  	[tilespmem:s22], [sflag:$0x4] =	stream.linear.gather @!p1 [spmem:s21], $0x240, $0x38;
	[tilespmem:$0x1FE28] =	vst v63  }
0x60: {  	_ =	swait.ge @!p1 [sflag:s23], $0x240  }
0x61: {  	[sflag:s23] =	ssyncset.done @!p1 $0x0  }
0x62: {  	s24 =	simm.s32 @!p1 $0x0;
	[sflag:s23] =	ssyncadd.s32 @!p1 $0xFFFFFDC0  }
0x63: {  	[hbm4b:s11+s24] =	stream.linear.scatter @!p1 [tilespmem:s22], [sflag:$0x4], $0x240, $0x38;
	[tilespmem:$0x1FE28] =	vst v63  }
0x64: {  	_ =	swait.ge @!p1 [sflag:s23], $0x240  }
0x65: {  	s22 =	simm.s32 @!p0 $0x1D428;
	[sflag:s23] =	ssyncset.done @!p1 $0x0  }
0x66: {  	s9 =	rddreg [dreg:$0x10];
	[sflag:s23] =	ssyncadd.s32 @!p1 $0xFFFFFDC0;
	s23 =	simm.s32 @!p0 $0x4  }
0x67: {  	[tilespmem:s22], [sflag:$0x4] =	stream.linear.gather @!p0 [spmem:s9], $0x2000, $0x38;
	[tilespmem:$0x1FE28] =	vst v63  }
0x68: {  	_ =	swait.ge @!p0 [sflag:s23], $0x2000  }
0x69: {  	[sflag:s23] =	ssyncset.done @!p0 $0x0  }
0x6a: {  	s24 =	simm.s32 @!p0 $0x0;
	[sflag:s23] =	ssyncadd.s32 @!p0 $0xFFFFE000  }
0x6b: {  	[hbm4b:s2+s24] =	stream.linear.scatter @!p0 [tilespmem:s22], [sflag:$0x4], $0x2000, $0x38;
	[tilespmem:$0x1FE28] =	vst v63  }
0x6c: {  	_ =	swait.ge @!p0 [sflag:s23], $0x2000  }
0x6d: {  	s1 =	sadd.s32 $0x1, s1;
	s24 =	rddreg [dreg:$0xa]  }
0x6e: {  	p3 =	sne.s32 s1, s24  }
.Ltmp1:
0x6f: {  	_ = 	snop;
	(pc) =	sbr.rel @!p3 .LBB2_16-.Ltmp1, $4  }
0x70: {  	_ = 	snop  }
0x71: {  	s22 =	smov.u32 s31;
	s31 =	smov.u32 s20  }
0x72: {  	s20 =	smov.u32 s17;
	s17 =	smov.u32 s4;
	[sflag:s23] =	ssyncset.done @!p0 $0x0  }
0x73: {  	s4 =	simm.s32 $0xF428;
	[sflag:s23] =	ssyncadd.s32 @!p0 $0xFFFFE000;
	s23 =	smov.u32 s25  }
.LBB2_1:
0x74: {  	[dreg:$0x15] =	wrdreg s1  }
0x75: {  	[tilespmem:s18], [sflag:$0x4] =	stream.linear.gather [hbm4b:s22+s3], $0x2000, $0x38;
	[tilespmem:$0x1FE28] =	vst v63  }
0x76: {  	_ =	swait.ge [sflag:s19], $0x2000  }
0x77: {  	[sflag:s19] =	ssyncset.done $0x0  }
0x78: {  	[sflag:s19] =	ssyncadd.s32 $0xFFFFE000  }
0x79: {  	[spmem:s28] =	stream.linear.scatter [tilespmem:s18], [sflag:$0x4], $0x2000, $0x38;
	[tilespmem:$0x1FE28] =	vst v63  }
0x7a: {  	_ =	swait.ge [sflag:s19], $0x2000  }
0x7b: {  	[sflag:s19] =	ssyncset.done $0x0  }
0x7c: {  	[sflag:s19] =	ssyncadd.s32 $0xFFFFE000  }
0x7d: {  	[tilespmem:s18], [sflag:$0x4] =	stream.linear.gather [hbm4b:s23+s3], $0x2000, $0x38;
	[tilespmem:$0x1FE28] =	vst v63  }
0x7e: {  	_ =	swait.ge [sflag:s19], $0x2000  }
0x7f: {  	[sflag:s19] =	ssyncset.done $0x0  }
0x80: {  	[sflag:s19] =	ssyncadd.s32 $0xFFFFE000  }
0x81: {  	[spmem:s26] =	stream.linear.scatter [tilespmem:s18], [sflag:$0x4], $0x2000, $0x38;
	[tilespmem:$0x1FE28] =	vst v63  }
0x82: {  	_ =	swait.ge [sflag:s19], $0x2000  }
0x83: {  	[sflag:s19] =	ssyncset.done $0x0  }
0x84: {  	[sflag:s19] =	ssyncadd.s32 $0xFFFFE000  }
0x85: {  	[tilespmem:s18], [sflag:$0x4] =	stream.linear.gather [hbm4b:s29+s3], $0x2000, $0x38;
	[tilespmem:$0x1FE28] =	vst v63  }
0x86: {  	_ =	swait.ge [sflag:s19], $0x2000  }
0x87: {  	[sflag:s19] =	ssyncset.done $0x0  }
0x88: {  	[sflag:s19] =	ssyncadd.s32 $0xFFFFE000  }
0x89: {  	[spmem:s31] =	stream.linear.scatter [tilespmem:s18], [sflag:$0x4], $0x2000, $0x38;
	[tilespmem:$0x1FE28] =	vst v63  }
0x8a: {  	_ =	swait.ge [sflag:s19], $0x2000  }
0x8b: {  	[sflag:s19] =	ssyncset.done $0x0  }
0x8c: {  	[sflag:s19] =	ssyncadd.s32 $0xFFFFE000  }
0x8d: {  	[tilespmem:s18], [sflag:$0x4] =	stream.linear.gather [hbm4b:s30+s3], $0x2000, $0x38;
	[tilespmem:$0x1FE28] =	vst v63  }
0x8e: {  	_ =	swait.ge [sflag:s19], $0x2000  }
0x8f: {  	[sflag:s19] =	ssyncset.done $0x0  }
0x90: {  	[sflag:s19] =	ssyncadd.s32 $0xFFFFE000  }
0x91: {  	[spmem:s7] =	stream.linear.scatter [tilespmem:s18], [sflag:$0x4], $0x2000, $0x38;
	[tilespmem:$0x1FE28] =	vst v63  }
0x92: {  	_ =	swait.ge [sflag:s19], $0x2000  }
0x93: {  	[sflag:s19] =	ssyncset.done $0x0  }
0x94: {  	[sflag:s19] =	ssyncadd.s32 $0xFFFFE000  }
0x95: {  	[tilespmem:s18], [sflag:$0x4] =	stream.linear.gather [hbm4b:s14+s3], $0x2000, $0x38;
	[tilespmem:$0x1FE28] =	vst v63  }
0x96: {  	_ =	swait.ge [sflag:s19], $0x2000  }
0x97: {  	[sflag:s19] =	ssyncset.done $0x0  }
0x98: {  	[sflag:s19] =	ssyncadd.s32 $0xFFFFE000  }
0x99: {  	[spmem:s15] =	stream.linear.scatter [tilespmem:s18], [sflag:$0x4], $0x2000, $0x38;
	[tilespmem:$0x1FE28] =	vst v63  }
0x9a: {  	_ =	swait.ge [sflag:s19], $0x2000  }
0x9b: {  	[sflag:s19] =	ssyncset.done $0x0  }
0x9c: {  	[sflag:s19] =	ssyncadd.s32 $0xFFFFE000  }
0x9d: {  	[tilespmem:s18], [sflag:$0x4] =	stream.linear.gather [hbm4b:s0+s3], $0x2000, $0x38;
	[tilespmem:$0x1FE28] =	vst v63  }
0x9e: {  	_ =	swait.ge [sflag:s19], $0x2000  }
0x9f: {  	[sflag:s19] =	ssyncset.done $0x0  }
0xa0: {  	[sflag:s19] =	ssyncadd.s32 $0xFFFFE000  }
0xa1: {  	[spmem:s13] =	stream.linear.scatter [tilespmem:s18], [sflag:$0x4], $0x2000, $0x38;
	[tilespmem:$0x1FE28] =	vst v63  }
0xa2: {  	_ =	swait.ge [sflag:s19], $0x2000  }
0xa3: {  	[sflag:s19] =	ssyncset.done $0x0  }
0xa4: {  	[sflag:s19] =	ssyncadd.s32 $0xFFFFE000  }
0xa5: {  	[tilespmem:s18], [sflag:$0x4] =	stream.linear.gather [hbm4b:s8+s3], $0x2000, $0x38;
	[tilespmem:$0x1FE28] =	vst v63  }
0xa6: {  	_ =	swait.ge [sflag:s19], $0x2000  }
0xa7: {  	[sflag:s19] =	ssyncset.done $0x0  }
0xa8: {  	[sflag:s19] =	ssyncadd.s32 $0xFFFFE000  }
0xa9: {  	[spmem:s20] =	stream.linear.scatter [tilespmem:s18], [sflag:$0x4], $0x2000, $0x38;
	[tilespmem:$0x1FE28] =	vst v63  }
0xaa: {  	_ =	swait.ge [sflag:s19], $0x2000  }
0xab: {  	[sflag:s19] =	ssyncset.done $0x0  }
0xac: {  	s22 =	simm.s32 @!p1 $0x0;
	s23 =	simm.s32 @!p1 $0x1FBA8;
	[sflag:s19] =	ssyncadd.s32 $0xFFFFE000  }
0xad: {  	[tilespmem:s23], [sflag:$0x4] =	stream.linear.gather @!p1 [hbm4b:s11+s22], $0x240, $0x38;
	[tilespmem:$0x1FE28] =	vst v63  }
0xae: {  	s22 =	simm.s32 @!p1 $0x4  }
0xaf: {  	_ =	swait.ge @!p1 [sflag:s22], $0x240  }
0xb0: {  	[sflag:s22] =	ssyncset.done @!p1 $0x0  }
0xb1: {  	[sflag:s22] =	ssyncadd.s32 @!p1 $0xFFFFFDC0  }
0xb2: {  	[spmem:s21] =	stream.linear.scatter @!p1 [tilespmem:s23], [sflag:$0x4], $0x240, $0x38;
	[tilespmem:$0x1FE28] =	vst v63  }
0xb3: {  	_ =	swait.ge @!p1 [sflag:s22], $0x240  }
0xb4: {  	[sflag:s22] =	ssyncset.done @!p1 $0x0  }
0xb5: {  	s23 =	simm.s32 @!p0 $0x1D428;
	[sflag:s22] =	ssyncadd.s32 @!p1 $0xFFFFFDC0;
	s22 =	simm.s32 @!p0 $0x0  }
0xb6: {  	[tilespmem:s23], [sflag:$0x4] =	stream.linear.gather @!p0 [hbm4b:s2+s22], $0x2000, $0x38;
	[tilespmem:$0x1FE28] =	vst v63  }
0xb7: {  	s22 =	simm.s32 @!p0 $0x4  }
0xb8: {  	_ =	swait.ge @!p0 [sflag:s22], $0x2000  }
0xb9: {  	[sflag:s22] =	ssyncset.done @!p0 $0x0  }
0xba: {  	[sflag:s22] =	ssyncadd.s32 @!p0 $0xFFFFE000  }
0xbb: {  	[spmem:s9] =	stream.linear.scatter @!p0 [tilespmem:s23], [sflag:$0x4], $0x2000, $0x38;
	[tilespmem:$0x1FE28] =	vst v63  }
0xbc: {  	_ =	swait.ge @!p0 [sflag:s22], $0x2000  }
0xbd: {  	s20 =	smov.u32 s31;
	[sflag:s22] =	ssyncset.done @!p0 $0x0  }
0xbe: {  	s23 =	simm.s32 $0x0;
	[sflag:s22] =	ssyncadd.s32 @!p0 $0xFFFFE000;
	s22 =	simm.s32 $0x40  }
.LBB2_2:
0xbf: {  	p3 =	sne.s32 s22, $0x7FC0;
	[tilespmem:s23+$0x1D428] =	vst v1;
	s23 =	smov.u32 s22;
	s22 =	sadd.s32 $0x40, s22  }
.Ltmp2:
0xc0: {  	(pc) =	sbr.rel @p3 .LBB2_2-.Ltmp2, $2  }
0xc1: {  	_ =	sdelay $0x2  }
0xc2: {  	s23 =	sshra.s32 s23, $0x2  }
0xc3: {  	[tilespmem:s23+$0x1D428] =	vst v1  }
0xc4: {  	[tilespmem:$0x1FBA8] =	vst v1  }
0xc5: {  	[tilespmem:$0x1FBB8] =	vst v1  }
0xc6: {  	[tilespmem:$0x1FBC8] =	vst v1  }
0xc7: {  	[tilespmem:$0x1FBD8] =	vst v1  }
0xc8: {  	[tilespmem:$0x1FBE8] =	vst v1  }
0xc9: {  	[tilespmem:$0x1FBF8] =	vst v1  }
0xca: {  	[tilespmem:$0x1FC08] =	vst v1  }
0xcb: {  	[tilespmem:$0x1FC18] =	vst v1  }
0xcc: {  	[tilespmem:$0x1FC28] =	vst v1  }
0xcd: {  	[tilespmem:$0x1FC38] =	vst v1  }
0xce: {  	[tilespmem:$0x1FC48] =	vst v1  }
0xcf: {  	[tilespmem:$0x1FC58] =	vst v1  }
0xd0: {  	[tilespmem:$0x1FC68] =	vst v1  }
0xd1: {  	[tilespmem:$0x1FC78] =	vst v1  }
0xd2: {  	[tilespmem:$0x1FC88] =	vst v1  }
0xd3: {  	[tilespmem:$0x1FC98] =	vst v1  }
0xd4: {  	[tilespmem:$0x1FCA8] =	vst v1  }
0xd5: {  	[tilespmem:$0x1FCB8] =	vst v1  }
0xd6: {  	[tilespmem:$0x1FCC8] =	vst v1  }
0xd7: {  	[tilespmem:$0x1FCD8] =	vst v1  }
0xd8: {  	[tilespmem:$0x1FCE8] =	vst v1  }
0xd9: {  	[tilespmem:$0x1FCF8] =	vst v1  }
0xda: {  	[tilespmem:$0x1FD08] =	vst v1  }
0xdb: {  	[tilespmem:$0x1FD18] =	vst v1  }
0xdc: {  	[tilespmem:$0x1FD28] =	vst v1  }
0xdd: {  	[tilespmem:$0x1FD38] =	vst v1  }
0xde: {  	[tilespmem:$0x1FD48] =	vst v1  }
0xdf: {  	[tilespmem:$0x1FD58] =	vst v1  }
0xe0: {  	[tilespmem:$0x1FD68] =	vst v1  }
0xe1: {  	[tilespmem:$0x1FD78] =	vst v1  }
0xe2: {  	[tilespmem:$0x1FD88] =	vst v1  }
0xe3: {  	[tilespmem:$0x1FD98] =	vst v1  }
0xe4: {  	[tilespmem:$0x1FDA8] =	vst v1  }
.Ltmp3:
0xe5: {  	[tilespmem:$0x1FDB8] =	vst v1;
	(pc) =	sbr.rel .LBB2_4-.Ltmp3, $4  }
0xe6: {  	[tilespmem:$0x1FDC8] =	vst v1  }
0xe7: {  	[tilespmem:$0x1FDD8] =	vst v1  }
0xe8: {  	[bflag:$0x0] =	sbarrier.arrive $0xFFFF  }
0xe9: {  	s22 =	simm.s32 $0x0  }
.LBB2_10:
0xea: {  	s22 =	sadd.s32 $0x1, s22  }
0xeb: {  	p3 =	sne.s32 s22, $0x8  }
.Ltmp4:
0xec: {  	_ = 	snop;
	(pc) =	sbr.rel @!p3 .LBB2_11-.Ltmp4, $1  }
0xed: {  	_ =	sdelay $0x3  }
.LBB2_4:
0xee: {  	s23 =	sshll.u32 s22, $0x4;
	s24 =	stileid.u32  }
0xef: {  	s23 =	sor.u32 s24, s23  }
0xf0: {  	p3 =	sgt.u32 s23, $0x79  }
.Ltmp5:
0xf1: {  	_ = 	snop;
	(pc) =	sbr.rel @p3 .LBB2_10-.Ltmp5, $1  }
0xf2: {  	_ =	sdelay $0x3  }
0xf3: {  	s23 =	sshll.u32 s23, $0xA;
	s24 =	rddreg [dreg:$0x0]  }
0xf4: {  	s7 =	rddreg [dreg:$0xb];
	s24 =	sadd.s32 s24, s23  }
0xf5: {  	[tilespmem:s4], [sflag:$0x1] =	stream.linear.gather [hbm4b:s24+s3], $0x2000, $0x38;
	[tilespmem:$0x1FE28] =	vst v63  }
0xf6: {  	s9 =	simm.s32 $0x11428;
	s13 =	rddreg [dreg:$0xc];
	s7 =	sadd.s32 s7, s23  }
0xf7: {  	[tilespmem:s9], [sflag:$0x1] =	stream.linear.gather [hbm4b:s7+s3], $0x2000, $0x38;
	[tilespmem:$0x1FE28] =	vst v63  }
0xf8: {  	s21 =	simm.s32 $0x13428;
	s25 =	rddreg [dreg:$0xd];
	s15 =	sadd.s32 s13, s23  }
0xf9: {  	[tilespmem:s21], [sflag:$0x1] =	stream.linear.gather [hbm4b:s15+s3], $0x2000, $0x38;
	[tilespmem:$0x1FE28] =	vst v63  }
0xfa: {  	s26 =	simm.s32 $0x15428;
	s23 =	sadd.s32 s25, s23  }
0xfb: {  	[tilespmem:s26], [sflag:$0x1] =	stream.linear.gather [hbm4b:s23+s3], $0x2000, $0x38;
	[tilespmem:$0x1FE28] =	vst v63  }
0xfc: {  	_ =	swait.ge [sflag:s5], $0x2000  }
0xfd: {  	[sflag:s5] =	ssyncset.done $0x0  }
0xfe: {  	[sflag:s5] =	ssyncadd.s32 $0xFFFFE000  }
0xff: {  	_ =	swait.ge [sflag:s5], $0x2000  }
0x100: {  	[sflag:s5] =	ssyncset.done $0x0  }
0x101: {  	[sflag:s5] =	ssyncadd.s32 $0xFFFFE000  }
0x102: {  	_ =	swait.ge [sflag:s5], $0x2000  }
0x103: {  	[sflag:s5] =	ssyncset.done $0x0  }
0x104: {  	[sflag:s5] =	ssyncadd.s32 $0xFFFFE000  }
0x105: {  	_ =	swait.ge [sflag:s5], $0x2000  }
0x106: {  	[sflag:s5] =	ssyncset.done $0x0  }
0x107: {  	s23 =	simm.s32 $0xF468;
	[sflag:s5] =	ssyncadd.s32 $0xFFFFE000  }
0x108: {  	v2 =	vld [tilespmem:s23+$0xFFFFFFC0]  }
0x109: {  	s24 =	simm.s32 $0x11468  }
0x10a: {  	v3 =	vld [tilespmem:s24+$0xFFFFFFC0];
	_ =	sdelay $0x1  }
0x10b: {  	s28 =	simm.s32 $0x13468  }
0x10c: {  	v4 =	vld [tilespmem:s28+$0xFFFFFFC0];
	v2 =	vmul.u32 $0x65, v2;
	_ =	sdelay $0x1  }
0x10d: {  	s26 =	simm.s32 $0x15468;
	v2 =	vadd.s32 v3, v2  }
0x10e: {  	v3 =	vld [tilespmem:s26+$0xFFFFFFC0];
	v2 =	vmul.u32 $0x65, v2;
	_ =	sdelay $0x1  }
0x10f: {  	v2 =	vadd.s32 v4, v2  }
0x110: {  	v2 =	vmul.u32 $0x65, v2;
	_ =	sdelay $0x1  }
0x111: {  	s25 =	simm.s32 $0x17468;
	v2 =	vadd.s32 v3, v2  }
0x112: {  	[tilespmem:s25+$0xFFFFFFC0] =	vst v2  }
0x113: {  	v2 =	vld [tilespmem:s23+$0xFFFFFFD0];
	_ =	sdelay $0x1  }
0x114: {  	v3 =	vld [tilespmem:s24+$0xFFFFFFD0];
	_ =	sdelay $0x2  }
0x115: {  	v57 =	vld [tilespmem:s28+$0xFFFFFFD0];
	v2 =	vmul.u32 $0x65, v2;
	_ =	sdelay $0x1  }
0x116: {  	v2 =	vadd.s32 v3, v2  }
0x117: {  	v3 =	vld [tilespmem:s26+$0xFFFFFFD0];
	v2 =	vmul.u32 $0x65, v2;
	_ =	sdelay $0x1  }
0x118: {  	v2 =	vadd.s32 v57, v2  }
0x119: {  	v2 =	vmul.u32 $0x65, v2;
	_ =	sdelay $0x1  }
0x11a: {  	v2 =	vadd.s32 v3, v2  }
0x11b: {  	[tilespmem:s25+$0xFFFFFFD0] =	vst v2  }
0x11c: {  	v2 =	vld [tilespmem:s23+$0xFFFFFFE0];
	_ =	sdelay $0x1  }
0x11d: {  	v3 =	vld [tilespmem:s24+$0xFFFFFFE0];
	_ =	sdelay $0x2  }
0x11e: {  	v58 =	vld [tilespmem:s28+$0xFFFFFFE0];
	v2 =	vmul.u32 $0x65, v2;
	_ =	sdelay $0x1  }
0x11f: {  	v2 =	vadd.s32 v3, v2  }
0x120: {  	v3 =	vld [tilespmem:s26+$0xFFFFFFE0];
	v2 =	vmul.u32 $0x65, v2;
	_ =	sdelay $0x1  }
0x121: {  	v2 =	vadd.s32 v58, v2  }
0x122: {  	v2 =	vmul.u32 $0x65, v2;
	_ =	sdelay $0x1  }
0x123: {  	v2 =	vadd.s32 v3, v2  }
0x124: {  	[tilespmem:s25+$0xFFFFFFE0] =	vst v2  }
0x125: {  	v2 =	vld [tilespmem:s23+$0xFFFFFFF0];
	_ =	sdelay $0x1  }
0x126: {  	v3 =	vld [tilespmem:s24+$0xFFFFFFF0];
	_ =	sdelay $0x2  }
0x127: {  	v59 =	vld [tilespmem:s28+$0xFFFFFFF0];
	v2 =	vmul.u32 $0x65, v2;
	_ =	sdelay $0x1  }
0x128: {  	v2 =	vadd.s32 v3, v2  }
0x129: {  	v3 =	vld [tilespmem:s26+$0xFFFFFFF0];
	v2 =	vmul.u32 $0x65, v2;
	_ =	sdelay $0x1  }
0x12a: {  	v2 =	vadd.s32 v59, v2  }
0x12b: {  	v2 =	vmul.u32 $0x65, v2;
	_ =	sdelay $0x1  }
0x12c: {  	v2 =	vadd.s32 v3, v2  }
0x12d: {  	[tilespmem:s25+$0xFFFFFFF0] =	vst v2  }
0x12e: {  	v2 =	vld [tilespmem:s23+$0x0];
	_ =	sdelay $0x1  }
0x12f: {  	v3 =	vld [tilespmem:s24+$0x0];
	_ =	sdelay $0x2  }
0x130: {  	v60 =	vld [tilespmem:s28+$0x0];
	v2 =	vmul.u32 $0x65, v2;
	_ =	sdelay $0x1  }
0x131: {  	v2 =	vadd.s32 v3, v2  }
0x132: {  	v3 =	vld [tilespmem:s26+$0x0];
	v2 =	vmul.u32 $0x65, v2;
	_ =	sdelay $0x1  }
0x133: {  	v2 =	vadd.s32 v60, v2  }
0x134: {  	v2 =	vmul.u32 $0x65, v2;
	_ =	sdelay $0x1  }
0x135: {  	v2 =	vadd.s32 v3, v2  }
0x136: {  	[tilespmem:s25+$0x0] =	vst v2  }
0x137: {  	v2 =	vld [tilespmem:s23+$0x10];
	_ =	sdelay $0x1  }
0x138: {  	v3 =	vld [tilespmem:s24+$0x10];
	_ =	sdelay $0x2  }
0x139: {  	v61 =	vld [tilespmem:s28+$0x10];
	v2 =	vmul.u32 $0x65, v2;
	_ =	sdelay $0x1  }
0x13a: {  	v2 =	vadd.s32 v3, v2  }
0x13b: {  	v3 =	vld [tilespmem:s26+$0x10];
	v2 =	vmul.u32 $0x65, v2;
	_ =	sdelay $0x1  }
0x13c: {  	v2 =	vadd.s32 v61, v2  }
0x13d: {  	v2 =	vmul.u32 $0x65, v2;
	_ =	sdelay $0x1  }
0x13e: {  	v2 =	vadd.s32 v3, v2  }
0x13f: {  	[tilespmem:s25+$0x10] =	vst v2  }
0x140: {  	v2 =	vld [tilespmem:s23+$0x20];
	_ =	sdelay $0x1  }
0x141: {  	v3 =	vld [tilespmem:s24+$0x20];
	_ =	sdelay $0x2  }
0x142: {  	v62 =	vld [tilespmem:s28+$0x20];
	v2 =	vmul.u32 $0x65, v2;
	_ =	sdelay $0x1  }
0x143: {  	v2 =	vadd.s32 v3, v2  }
0x144: {  	v3 =	vld [tilespmem:s26+$0x20];
	v2 =	vmul.u32 $0x65, v2;
	_ =	sdelay $0x1  }
0x145: {  	v2 =	vadd.s32 v62, v2  }
0x146: {  	v2 =	vmul.u32 $0x65, v2;
	_ =	sdelay $0x1  }
0x147: {  	v2 =	vadd.s32 v3, v2  }
0x148: {  	[tilespmem:s25+$0x20] =	vst v2  }
0x149: {  	v2 =	vld [tilespmem:s23+$0x30];
	_ =	sdelay $0x1  }
0x14a: {  	v3 =	vld [tilespmem:s24+$0x30];
	_ =	sdelay $0x2  }
0x14b: {  	v63 =	vld [tilespmem:s28+$0x30];
	v2 =	vmul.u32 $0x65, v2;
	_ =	sdelay $0x1  }
0x14c: {  	v2 =	vadd.s32 v3, v2  }
0x14d: {  	v3 =	vld [tilespmem:s26+$0x30];
	v2 =	vmul.u32 $0x65, v2;
	_ =	sdelay $0x1  }
0x14e: {  	s20 =	smov.u32 s11;
	s11 =	smov.u32 s2;
	v2 =	vadd.s32 v63, v2  }
0x14f: {  	s2 =	smov.u32 s8;
	s8 =	smov.u32 s0;
	s0 =	smov.u32 s14;
	v2 =	vmul.u32 $0x65, v2  }
0x150: {  	s14 =	smov.u32 s30;
	s31 =	smov.u32 s29;
	s29 =	simm.s32 $0x154E8  }
0x151: {  	s30 =	simm.s32 $0x174E8;
	s28 =	simm.s32 $0x134E8;
	s26 =	simm.s32 $0x0;
	v2 =	vadd.s32 v3, v2  }
.LBB2_6:
0x152: {  	s26 =	sadd.s32 $0x8, s26;
	[tilespmem:s25+$0x30] =	vst v2;
	s23 =	sadd.s32 $0x80, s23;
	s24 =	sadd.s32 $0x80, s24  }
0x153: {  	s25 =	smov.u32 s30;
	v2 =	vld [tilespmem:s23+$0xFFFFFFC0];
	p3 =	slt.u32 s26, $0x1F8;
	_ =	sdelay $0x1  }
0x154: {  	v3 =	vld [tilespmem:s24+$0xFFFFFFC0];
	_ =	sdelay $0x2  }
0x155: {  	v4 =	vld [tilespmem:s28+$0xFFFFFFC0];
	v2 =	vmul.u32 $0x65, v2;
	_ =	sdelay $0x1  }
0x156: {  	v2 =	vadd.s32 v3, v2  }
0x157: {  	v3 =	vld [tilespmem:s29+$0xFFFFFFC0];
	v2 =	vmul.u32 $0x65, v2;
	_ =	sdelay $0x1  }
0x158: {  	v2 =	vadd.s32 v4, v2  }
0x159: {  	v2 =	vmul.u32 $0x65, v2;
	_ =	sdelay $0x1  }
0x15a: {  	v2 =	vadd.s32 v3, v2  }
0x15b: {  	[tilespmem:s30+$0xFFFFFFC0] =	vst v2  }
0x15c: {  	v2 =	vld [tilespmem:s23+$0xFFFFFFD0];
	_ =	sdelay $0x1  }
0x15d: {  	v3 =	vld [tilespmem:s24+$0xFFFFFFD0];
	_ =	sdelay $0x2  }
0x15e: {  	v4 =	vld [tilespmem:s28+$0xFFFFFFD0];
	v2 =	vmul.u32 $0x65, v2;
	_ =	sdelay $0x1  }
0x15f: {  	v2 =	vadd.s32 v3, v2  }
0x160: {  	v3 =	vld [tilespmem:s29+$0xFFFFFFD0];
	v2 =	vmul.u32 $0x65, v2;
	_ =	sdelay $0x1  }
0x161: {  	v2 =	vadd.s32 v4, v2  }
0x162: {  	v2 =	vmul.u32 $0x65, v2;
	_ =	sdelay $0x1  }
0x163: {  	v2 =	vadd.s32 v3, v2  }
0x164: {  	[tilespmem:s30+$0xFFFFFFD0] =	vst v2  }
0x165: {  	v2 =	vld [tilespmem:s23+$0xFFFFFFE0];
	_ =	sdelay $0x1  }
0x166: {  	v3 =	vld [tilespmem:s24+$0xFFFFFFE0];
	_ =	sdelay $0x2  }
0x167: {  	v4 =	vld [tilespmem:s28+$0xFFFFFFE0];
	v2 =	vmul.u32 $0x65, v2;
	_ =	sdelay $0x1  }
0x168: {  	v2 =	vadd.s32 v3, v2  }
0x169: {  	v3 =	vld [tilespmem:s29+$0xFFFFFFE0];
	v2 =	vmul.u32 $0x65, v2;
	_ =	sdelay $0x1  }
0x16a: {  	v2 =	vadd.s32 v4, v2  }
0x16b: {  	v2 =	vmul.u32 $0x65, v2;
	_ =	sdelay $0x1  }
0x16c: {  	v2 =	vadd.s32 v3, v2  }
0x16d: {  	[tilespmem:s30+$0xFFFFFFE0] =	vst v2  }
0x16e: {  	v2 =	vld [tilespmem:s23+$0xFFFFFFF0];
	_ =	sdelay $0x1  }
0x16f: {  	v3 =	vld [tilespmem:s24+$0xFFFFFFF0];
	_ =	sdelay $0x2  }
0x170: {  	v4 =	vld [tilespmem:s28+$0xFFFFFFF0];
	v2 =	vmul.u32 $0x65, v2;
	_ =	sdelay $0x1  }
0x171: {  	v2 =	vadd.s32 v3, v2  }
0x172: {  	v3 =	vld [tilespmem:s29+$0xFFFFFFF0];
	v2 =	vmul.u32 $0x65, v2;
	_ =	sdelay $0x1  }
0x173: {  	v2 =	vadd.s32 v4, v2  }
0x174: {  	v2 =	vmul.u32 $0x65, v2;
	_ =	sdelay $0x1  }
0x175: {  	v2 =	vadd.s32 v3, v2  }
0x176: {  	[tilespmem:s30+$0xFFFFFFF0] =	vst v2  }
0x177: {  	v2 =	vld [tilespmem:s23+$0x0];
	_ =	sdelay $0x1  }
0x178: {  	v3 =	vld [tilespmem:s24+$0x0];
	_ =	sdelay $0x2  }
0x179: {  	v4 =	vld [tilespmem:s28+$0x0];
	v2 =	vmul.u32 $0x65, v2;
	_ =	sdelay $0x1  }
0x17a: {  	v2 =	vadd.s32 v3, v2  }
0x17b: {  	v3 =	vld [tilespmem:s29+$0x0];
	v2 =	vmul.u32 $0x65, v2;
	_ =	sdelay $0x1  }
0x17c: {  	v2 =	vadd.s32 v4, v2  }
0x17d: {  	v2 =	vmul.u32 $0x65, v2;
	_ =	sdelay $0x1  }
0x17e: {  	v2 =	vadd.s32 v3, v2  }
0x17f: {  	[tilespmem:s30+$0x0] =	vst v2  }
0x180: {  	v2 =	vld [tilespmem:s23+$0x10]  }
0x181: {  	v3 =	vld [tilespmem:s24+$0x10]  }
0x182: {  	v4 =	vld [tilespmem:s28+$0x10]  }
0x183: {  	v5 =	vld [tilespmem:s29+$0x10];
	_ =	sdelay $0x1  }
0x184: {  	v2 =	vmul.u32 $0x65, v2;
	_ =	sdelay $0x1  }
0x185: {  	v2 =	vadd.s32 v3, v2  }
0x186: {  	v2 =	vmul.u32 $0x65, v2;
	_ =	sdelay $0x1  }
0x187: {  	v2 =	vadd.s32 v4, v2  }
0x188: {  	v2 =	vmul.u32 $0x65, v2;
	_ =	sdelay $0x1  }
0x189: {  	v2 =	vadd.s32 v5, v2  }
0x18a: {  	[tilespmem:s30+$0x10] =	vst v2  }
0x18b: {  	v2 =	vld [tilespmem:s23+$0x20]  }
0x18c: {  	v3 =	vld [tilespmem:s24+$0x20]  }
0x18d: {  	v4 =	vld [tilespmem:s28+$0x20]  }
0x18e: {  	v5 =	vld [tilespmem:s29+$0x20];
	_ =	sdelay $0x1  }
0x18f: {  	v2 =	vmul.u32 $0x65, v2;
	_ =	sdelay $0x1  }
0x190: {  	v2 =	vadd.s32 v3, v2  }
0x191: {  	v2 =	vmul.u32 $0x65, v2;
	_ =	sdelay $0x1  }
0x192: {  	v2 =	vadd.s32 v4, v2  }
0x193: {  	v2 =	vmul.u32 $0x65, v2;
	_ =	sdelay $0x1  }
0x194: {  	v2 =	vadd.s32 v5, v2  }
0x195: {  	[tilespmem:s30+$0x20] =	vst v2  }
0x196: {  	v2 =	vld [tilespmem:s23+$0x30]  }
0x197: {  	v3 =	vld [tilespmem:s24+$0x30]  }
0x198: {  	v4 =	vld [tilespmem:s28+$0x30]  }
0x199: {  	v5 =	vld [tilespmem:s29+$0x30];
	_ =	sdelay $0x1  }
0x19a: {  	v2 =	vmul.u32 $0x65, v2;
	_ =	sdelay $0x1  }
0x19b: {  	v2 =	vadd.s32 v3, v2  }
0x19c: {  	v2 =	vmul.u32 $0x65, v2  }
.Ltmp6:
0x19d: {  	(pc) =	sbr.rel @p3 .LBB2_6-.Ltmp6, $3  }
0x19e: {  	v2 =	vadd.s32 v4, v2  }
0x19f: {  	v2 =	vmul.u32 $0x65, v2;
	_ =	sdelay $0x1  }
0x1a0: {  	s30 =	sadd.s32 $0x80, s30;
	s28 =	sadd.s32 $0x80, s28;
	s29 =	sadd.s32 $0x80, s29;
	v2 =	vadd.s32 v5, v2  }
0x1a1: {  	[tilespmem:s25+$0x30] =	vst v2;
	s7 =	simm.s32 $0x2000;
	s13 =	simm.s32 $0x17428;
	s15 =	simm.s32 $0x19428  }
0x1a2: {  	[tilespmem:s15], [sflag:$0x2] =	stream.indirect.gather [hbm4b:s17+s7], $0x1, s13, s7, $0xb8;
	[tilespmem:$0x1FE28] =	vst v63  }
0x1a3: {  	_ =	swait.ge [sflag:s10], $0x2000  }
0x1a4: {  	[sflag:s10] =	ssyncset.done $0x0  }
0x1a5: {  	s24 =	simm.s32 $0x19468;
	[sflag:s10] =	ssyncadd.s32 $0xFFFFE000  }
0x1a6: {  	v2 =	vld [tilespmem:s24+$0xFFFFFFC0];
	_ =	sdelay $0x4  }
0x1a7: {  	v2 =	vsub.s32 v2, v0  }
0x1a8: {  	vm0 =	vlt.u32 v2, $0xF4240  }
0x1a9: {  	s23 =	simm.s32 $0x1B468;
	v2 =	vnsel vm0, $0xFFFFFFFF, v2  }
0x1aa: {  	[tilespmem:s23+$0xFFFFFFC0] =	vst v2  }
0x1ab: {  	v2 =	vld [tilespmem:s24+$0xFFFFFFD0];
	_ =	sdelay $0x4  }
0x1ac: {  	v2 =	vsub.s32 v2, v0  }
0x1ad: {  	vm9 =	vlt.u32 v2, $0xF4240  }
0x1ae: {  	v2 =	vnsel vm9, $0xFFFFFFFF, v2  }
0x1af: {  	[tilespmem:s23+$0xFFFFFFD0] =	vst v2  }
0x1b0: {  	v2 =	vld [tilespmem:s24+$0xFFFFFFE0];
	_ =	sdelay $0x4  }
0x1b1: {  	v2 =	vsub.s32 v2, v0  }
0x1b2: {  	vm10 =	vlt.u32 v2, $0xF4240  }
0x1b3: {  	v2 =	vnsel vm10, $0xFFFFFFFF, v2  }
0x1b4: {  	[tilespmem:s23+$0xFFFFFFE0] =	vst v2  }
0x1b5: {  	v2 =	vld [tilespmem:s24+$0xFFFFFFF0];
	_ =	sdelay $0x4  }
0x1b6: {  	v2 =	vsub.s32 v2, v0  }
0x1b7: {  	vm11 =	vlt.u32 v2, $0xF4240  }
0x1b8: {  	v2 =	vnsel vm11, $0xFFFFFFFF, v2  }
0x1b9: {  	[tilespmem:s23+$0xFFFFFFF0] =	vst v2  }
0x1ba: {  	v2 =	vld [tilespmem:s24+$0x0];
	_ =	sdelay $0x4  }
0x1bb: {  	v2 =	vsub.s32 v2, v0  }
0x1bc: {  	vm12 =	vlt.u32 v2, $0xF4240  }
0x1bd: {  	v2 =	vnsel vm12, $0xFFFFFFFF, v2  }
0x1be: {  	[tilespmem:s23+$0x0] =	vst v2  }
0x1bf: {  	v2 =	vld [tilespmem:s24+$0x10];
	_ =	sdelay $0x4  }
0x1c0: {  	v2 =	vsub.s32 v2, v0  }
0x1c1: {  	vm13 =	vlt.u32 v2, $0xF4240  }
0x1c2: {  	v2 =	vnsel vm13, $0xFFFFFFFF, v2  }
0x1c3: {  	[tilespmem:s23+$0x10] =	vst v2  }
0x1c4: {  	v2 =	vld [tilespmem:s24+$0x20];
	_ =	sdelay $0x4  }
0x1c5: {  	v2 =	vsub.s32 v2, v0  }
0x1c6: {  	vm14 =	vlt.u32 v2, $0xF4240  }
0x1c7: {  	v2 =	vnsel vm14, $0xFFFFFFFF, v2  }
0x1c8: {  	[tilespmem:s23+$0x20] =	vst v2  }
0x1c9: {  	v2 =	vld [tilespmem:s24+$0x30];
	_ =	sdelay $0x4  }
0x1ca: {  	v2 =	vsub.s32 v2, v0  }
0x1cb: {  	vm15 =	vlt.u32 v2, $0xF4240  }
0x1cc: {  	v2 =	vnsel vm15, $0xFFFFFFFF, v2  }
0x1cd: {  	s25 =	simm.s32 $0x194E8;
	s24 =	simm.s32 $0x0;
	[tilespmem:s23+$0x30] =	vst v2  }
.LBB2_8:
0x1ce: {  	v2 =	vld [tilespmem:s25+$0xFFFFFFC0];
	s24 =	sadd.s32 $0x8, s24  }
0x1cf: {  	p3 =	slt.u32 s24, $0x1F8;
	_ =	sdelay $0x3  }
0x1d0: {  	v2 =	vsub.s32 v2, v0  }
0x1d1: {  	vm0 =	vlt.u32 v2, $0xF4240  }
0x1d2: {  	s23 =	sadd.s32 $0x80, s23;
	v2 =	vnsel vm0, $0xFFFFFFFF, v2  }
0x1d3: {  	[tilespmem:s23+$0xFFFFFFC0] =	vst v2  }
0x1d4: {  	v2 =	vld [tilespmem:s25+$0xFFFFFFD0];
	_ =	sdelay $0x4  }
0x1d5: {  	v2 =	vsub.s32 v2, v0  }
0x1d6: {  	vm0 =	vlt.u32 v2, $0xF4240  }
0x1d7: {  	v2 =	vnsel vm0, $0xFFFFFFFF, v2  }
0x1d8: {  	[tilespmem:s23+$0xFFFFFFD0] =	vst v2  }
0x1d9: {  	v2 =	vld [tilespmem:s25+$0xFFFFFFE0];
	_ =	sdelay $0x4  }
0x1da: {  	v2 =	vsub.s32 v2, v0  }
0x1db: {  	vm0 =	vlt.u32 v2, $0xF4240  }
0x1dc: {  	v2 =	vnsel vm0, $0xFFFFFFFF, v2  }
0x1dd: {  	[tilespmem:s23+$0xFFFFFFE0] =	vst v2  }
0x1de: {  	v2 =	vld [tilespmem:s25+$0xFFFFFFF0];
	_ =	sdelay $0x4  }
0x1df: {  	v2 =	vsub.s32 v2, v0  }
0x1e0: {  	vm0 =	vlt.u32 v2, $0xF4240  }
0x1e1: {  	v2 =	vnsel vm0, $0xFFFFFFFF, v2  }
0x1e2: {  	[tilespmem:s23+$0xFFFFFFF0] =	vst v2  }
0x1e3: {  	v2 =	vld [tilespmem:s25+$0x0];
	_ =	sdelay $0x4  }
0x1e4: {  	v2 =	vsub.s32 v2, v0  }
0x1e5: {  	vm0 =	vlt.u32 v2, $0xF4240  }
0x1e6: {  	v2 =	vnsel vm0, $0xFFFFFFFF, v2  }
0x1e7: {  	[tilespmem:s23+$0x0] =	vst v2  }
0x1e8: {  	v2 =	vld [tilespmem:s25+$0x10];
	_ =	sdelay $0x4  }
0x1e9: {  	v2 =	vsub.s32 v2, v0  }
0x1ea: {  	vm0 =	vlt.u32 v2, $0xF4240  }
0x1eb: {  	v2 =	vnsel vm0, $0xFFFFFFFF, v2  }
0x1ec: {  	[tilespmem:s23+$0x10] =	vst v2  }
0x1ed: {  	v2 =	vld [tilespmem:s25+$0x20];
	_ =	sdelay $0x4  }
0x1ee: {  	v2 =	vsub.s32 v2, v0  }
0x1ef: {  	vm0 =	vlt.u32 v2, $0xF4240  }
0x1f0: {  	v2 =	vnsel vm0, $0xFFFFFFFF, v2  }
0x1f1: {  	[tilespmem:s23+$0x20] =	vst v2  }
0x1f2: {  	v2 =	vld [tilespmem:s25+$0x30];
	_ =	sdelay $0x3  }
.Ltmp7:
0x1f3: {  	(pc) =	sbr.rel @p3 .LBB2_8-.Ltmp7, $4  }
0x1f4: {  	v2 =	vsub.s32 v2, v0  }
0x1f5: {  	vm0 =	vlt.u32 v2, $0xF4240  }
0x1f6: {  	v2 =	vnsel vm0, $0xFFFFFFFF, v2  }
0x1f7: {  	s25 =	sadd.s32 $0x80, s25;
	[tilespmem:s23+$0x30] =	vst v2  }
0x1f8: {  	(ifvalue) =	ssetifvalue $0xFFFFFFFF  }
0x1f9: {  	s13 =	simm.s32 $0x2000;
	s15 =	simm.s32 $0x1B428;
	s29 =	smov.u32 s31  }
0x1fa: {  	s30 =	smov.u32 s14;
	(ifvalue) =	ssetifvalue $0xFFFFFFFF;
	s7 =	rddreg [dreg:$0x3]  }
0x1fb: {  	[spmem:s7] =	stream.indirect.scatter [tilespmem:s18], [sflag:$0x3], $0x1, s15, s13, $0x40b8;
	[tilespmem:$0x1FE28] =	vst v63  }
.Ltmp8:
0x1fc: {  	s14 =	smov.u32 s0;
	_ =	swait.ge [sflag:s12], $0x2000;
	(pc) =	sbr.rel .LBB2_10-.Ltmp8, $4  }
0x1fd: {  	s0 =	smov.u32 s8;
	s8 =	smov.u32 s2;
	s28 =	rddreg [dreg:$0xf]  }
0x1fe: {  	s2 =	smov.u32 s11;
	s11 =	smov.u32 s20;
	s26 =	rddreg [dreg:$0x11]  }
0x1ff: {  	s15 =	smov.u32 s16;
	[sflag:s12] =	ssyncset.done $0x0;
	s20 =	rddreg [dreg:$0x13]  }
0x200: {  	s13 =	smov.u32 s6;
	s7 =	rddreg [dreg:$0x16];
	[sflag:s12] =	ssyncadd.s32 $0xFFFFE000  }
.LBB2_11:
.Ltmp9:
0x201: {  	(pc) =	sbr.rel @p2 .LBB2_15-.Ltmp9, $2  }
0x202: {  	_ =	sdelay $0x2  }
0x203: {  	s22 =	simm.s32 $0xF428;
	s1 =	rddreg [dreg:$0x15]  }
0x204: {  	s4 =	rddreg [dreg:$0x14]  }
0x205: {  	[tilespmem:s22], [sflag:$0x1] =	stream.linear.gather [hbm4b:s4+s3], $0x240, $0x38;
	[tilespmem:$0x1FE28] =	vst v63  }
0x206: {  	s20 =	rddreg [dreg:$0x7];
	s23 =	simm.s32 $0x11428  }
0x207: {  	[tilespmem:s23], [sflag:$0x1] =	stream.linear.gather [hbm4b:s20+s3], $0x240, $0x38;
	[tilespmem:$0x1FE28] =	vst v63  }
0x208: {  	s24 =	rddreg [dreg:$0x8];
	s25 =	simm.s32 $0x13428  }
0x209: {  	[tilespmem:s25], [sflag:$0x1] =	stream.linear.gather [hbm4b:s24+s3], $0x240, $0x38;
	[tilespmem:$0x1FE28] =	vst v63  }
0x20a: {  	s26 =	rddreg [dreg:$0x9];
	s31 =	simm.s32 $0x15428  }
0x20b: {  	[tilespmem:s31], [sflag:$0x1] =	stream.linear.gather [hbm4b:s26+s3], $0x240, $0x38;
	[tilespmem:$0x1FE28] =	vst v63  }
0x20c: {  	_ =	swait.ge [sflag:s5], $0x240  }
0x20d: {  	[sflag:s5] =	ssyncset.done $0x0  }
0x20e: {  	[sflag:s5] =	ssyncadd.s32 $0xFFFFFDC0  }
0x20f: {  	_ =	swait.ge [sflag:s5], $0x240  }
0x210: {  	[sflag:s5] =	ssyncset.done $0x0  }
0x211: {  	[sflag:s5] =	ssyncadd.s32 $0xFFFFFDC0  }
0x212: {  	_ =	swait.ge [sflag:s5], $0x240  }
0x213: {  	[sflag:s5] =	ssyncset.done $0x0  }
0x214: {  	[sflag:s5] =	ssyncadd.s32 $0xFFFFFDC0  }
0x215: {  	_ =	swait.ge [sflag:s5], $0x240  }
0x216: {  	[sflag:s5] =	ssyncset.done $0x0  }
0x217: {  	s24 =	simm.s32 $0xF448;
	[sflag:s5] =	ssyncadd.s32 $0xFFFFFDC0  }
0x218: {  	v2 =	vld [tilespmem:s24+$0xFFFFFFE0]  }
0x219: {  	s25 =	simm.s32 $0x11448  }
0x21a: {  	v3 =	vld [tilespmem:s25+$0xFFFFFFE0];
	_ =	sdelay $0x1  }
0x21b: {  	s26 =	simm.s32 $0x13448  }
0x21c: {  	v4 =	vld [tilespmem:s26+$0xFFFFFFE0];
	v2 =	vmul.u32 $0x65, v2;
	_ =	sdelay $0x1  }
0x21d: {  	s22 =	simm.s32 $0x15448;
	v2 =	vadd.s32 v3, v2  }
0x21e: {  	v3 =	vld [tilespmem:s22+$0xFFFFFFE0];
	v2 =	vmul.u32 $0x65, v2;
	_ =	sdelay $0x1  }
0x21f: {  	v2 =	vadd.s32 v4, v2  }
0x220: {  	v2 =	vmul.u32 $0x65, v2;
	_ =	sdelay $0x1  }
0x221: {  	s23 =	simm.s32 $0x1F448;
	v2 =	vadd.s32 v3, v2  }
0x222: {  	[tilespmem:s23+$0xFFFFFFE0] =	vst v2  }
0x223: {  	v2 =	vld [tilespmem:s24+$0xFFFFFFF0];
	_ =	sdelay $0x1  }
0x224: {  	v3 =	vld [tilespmem:s25+$0xFFFFFFF0];
	_ =	sdelay $0x2  }
0x225: {  	v61 =	vld [tilespmem:s26+$0xFFFFFFF0];
	v2 =	vmul.u32 $0x65, v2;
	_ =	sdelay $0x1  }
0x226: {  	v2 =	vadd.s32 v3, v2  }
0x227: {  	v3 =	vld [tilespmem:s22+$0xFFFFFFF0];
	v2 =	vmul.u32 $0x65, v2;
	_ =	sdelay $0x1  }
0x228: {  	v2 =	vadd.s32 v61, v2  }
0x229: {  	v2 =	vmul.u32 $0x65, v2;
	_ =	sdelay $0x1  }
0x22a: {  	v2 =	vadd.s32 v3, v2  }
0x22b: {  	[tilespmem:s23+$0xFFFFFFF0] =	vst v2  }
0x22c: {  	v2 =	vld [tilespmem:s24+$0x0];
	_ =	sdelay $0x1  }
0x22d: {  	v3 =	vld [tilespmem:s25+$0x0];
	_ =	sdelay $0x2  }
0x22e: {  	v62 =	vld [tilespmem:s26+$0x0];
	v2 =	vmul.u32 $0x65, v2;
	_ =	sdelay $0x1  }
0x22f: {  	v2 =	vadd.s32 v3, v2  }
0x230: {  	v3 =	vld [tilespmem:s22+$0x0];
	v2 =	vmul.u32 $0x65, v2;
	_ =	sdelay $0x1  }
0x231: {  	v2 =	vadd.s32 v62, v2  }
0x232: {  	v2 =	vmul.u32 $0x65, v2;
	_ =	sdelay $0x1  }
0x233: {  	v2 =	vadd.s32 v3, v2  }
0x234: {  	[tilespmem:s23+$0x0] =	vst v2  }
0x235: {  	v2 =	vld [tilespmem:s24+$0x10];
	_ =	sdelay $0x1  }
0x236: {  	v3 =	vld [tilespmem:s25+$0x10];
	_ =	sdelay $0x2  }
0x237: {  	v63 =	vld [tilespmem:s26+$0x10];
	v2 =	vmul.u32 $0x65, v2;
	_ =	sdelay $0x1  }
0x238: {  	v2 =	vadd.s32 v3, v2  }
0x239: {  	v3 =	vld [tilespmem:s22+$0x10];
	v2 =	vmul.u32 $0x65, v2;
	_ =	sdelay $0x1  }
0x23a: {  	v2 =	vadd.s32 v63, v2  }
0x23b: {  	v2 =	vmul.u32 $0x65, v2  }
0x23c: {  	s28 =	simm.s32 $0xF488  }
0x23d: {  	s24 =	simm.s32 $0x0;
	s25 =	simm.s32 $0x13488;
	s26 =	simm.s32 $0x11488;
	v2 =	vadd.s32 v3, v2  }
.LBB2_13:
0x23e: {  	s24 =	sadd.s32 $0x4, s24;
	[tilespmem:s23+$0x10] =	vst v2;
	s23 =	sadd.s32 $0x40, s23;
	s22 =	sadd.s32 $0x40, s22  }
0x23f: {  	v2 =	vld [tilespmem:s28+$0xFFFFFFE0];
	p3 =	slt.u32 s24, $0x20;
	_ =	sdelay $0x1  }
0x240: {  	v3 =	vld [tilespmem:s26+$0xFFFFFFE0];
	_ =	sdelay $0x2  }
0x241: {  	v4 =	vld [tilespmem:s25+$0xFFFFFFE0];
	v2 =	vmul.u32 $0x65, v2;
	_ =	sdelay $0x1  }
0x242: {  	v2 =	vadd.s32 v3, v2  }
0x243: {  	v3 =	vld [tilespmem:s22+$0xFFFFFFE0];
	v2 =	vmul.u32 $0x65, v2;
	_ =	sdelay $0x1  }
0x244: {  	v2 =	vadd.s32 v4, v2  }
0x245: {  	v2 =	vmul.u32 $0x65, v2;
	_ =	sdelay $0x1  }
0x246: {  	v2 =	vadd.s32 v3, v2  }
0x247: {  	[tilespmem:s23+$0xFFFFFFE0] =	vst v2  }
0x248: {  	v2 =	vld [tilespmem:s28+$0xFFFFFFF0];
	_ =	sdelay $0x1  }
0x249: {  	v3 =	vld [tilespmem:s26+$0xFFFFFFF0];
	_ =	sdelay $0x2  }
0x24a: {  	v4 =	vld [tilespmem:s25+$0xFFFFFFF0];
	v2 =	vmul.u32 $0x65, v2;
	_ =	sdelay $0x1  }
0x24b: {  	v2 =	vadd.s32 v3, v2  }
0x24c: {  	v3 =	vld [tilespmem:s22+$0xFFFFFFF0];
	v2 =	vmul.u32 $0x65, v2;
	_ =	sdelay $0x1  }
0x24d: {  	v2 =	vadd.s32 v4, v2  }
0x24e: {  	v2 =	vmul.u32 $0x65, v2;
	_ =	sdelay $0x1  }
0x24f: {  	v2 =	vadd.s32 v3, v2  }
0x250: {  	[tilespmem:s23+$0xFFFFFFF0] =	vst v2  }
0x251: {  	v2 =	vld [tilespmem:s28+$0x0];
	_ =	sdelay $0x1  }
0x252: {  	v3 =	vld [tilespmem:s26+$0x0];
	_ =	sdelay $0x2  }
0x253: {  	v4 =	vld [tilespmem:s25+$0x0];
	v2 =	vmul.u32 $0x65, v2;
	_ =	sdelay $0x1  }
0x254: {  	v2 =	vadd.s32 v3, v2  }
0x255: {  	v3 =	vld [tilespmem:s22+$0x0];
	v2 =	vmul.u32 $0x65, v2;
	_ =	sdelay $0x1  }
0x256: {  	v2 =	vadd.s32 v4, v2  }
0x257: {  	v2 =	vmul.u32 $0x65, v2;
	_ =	sdelay $0x1  }
0x258: {  	v2 =	vadd.s32 v3, v2  }
0x259: {  	[tilespmem:s23+$0x0] =	vst v2  }
0x25a: {  	v2 =	vld [tilespmem:s28+$0x10]  }
0x25b: {  	v3 =	vld [tilespmem:s26+$0x10]  }
0x25c: {  	v4 =	vld [tilespmem:s25+$0x10]  }
0x25d: {  	v5 =	vld [tilespmem:s22+$0x10];
	_ =	sdelay $0x1  }
0x25e: {  	v2 =	vmul.u32 $0x65, v2;
	_ =	sdelay $0x1  }
0x25f: {  	v2 =	vadd.s32 v3, v2  }
0x260: {  	v2 =	vmul.u32 $0x65, v2  }
.Ltmp10:
0x261: {  	(pc) =	sbr.rel @p3 .LBB2_13-.Ltmp10, $3  }
0x262: {  	v2 =	vadd.s32 v4, v2  }
0x263: {  	v2 =	vmul.u32 $0x65, v2;
	_ =	sdelay $0x1  }
0x264: {  	s28 =	sadd.s32 $0x40, s28;
	s26 =	sadd.s32 $0x40, s26;
	s25 =	sadd.s32 $0x40, s25;
	v2 =	vadd.s32 v5, v2  }
0x265: {  	[tilespmem:s23+$0x10] =	vst v2;
	s4 =	simm.s32 $0x240;
	s7 =	simm.s32 $0x1F428;
	s9 =	simm.s32 $0x1F6A8  }
0x266: {  	[tilespmem:s9], [sflag:$0x2] =	stream.indirect.gather [hbm4b:s17+s4], $0x1, s7, s4, $0xb8;
	[tilespmem:$0x1FE28] =	vst v63  }
0x267: {  	_ =	swait.ge [sflag:s10], $0x240  }
0x268: {  	[sflag:s10] =	ssyncset.done $0x0  }
0x269: {  	[sflag:s10] =	ssyncadd.s32 $0xFFFFFDC0  }
0x26a: {  	v2 =	vld [tilespmem:$0x1F6A8]  }
0x26b: {  	v3 =	vld [tilespmem:$0x1F6B8]  }
0x26c: {  	v4 =	vld [tilespmem:$0x1F6C8]  }
0x26d: {  	v5 =	vld [tilespmem:$0x1F6D8]  }
0x26e: {  	v6 =	vld [tilespmem:$0x1F6E8]  }
0x26f: {  	v7 =	vld [tilespmem:$0x1F6F8];
	v2 =	vsub.s32 v2, v0  }
0x270: {  	v8 =	vld [tilespmem:$0x1F708];
	v3 =	vsub.s32 v3, v0;
	vm0 =	vlt.u32 v2, $0xF4240  }
0x271: {  	v9 =	vld [tilespmem:$0x1F718];
	v4 =	vsub.s32 v4, v0;
	vm5 =	vlt.u32 v3, $0xF4240;
	v2 =	vnsel vm0, $0xFFFFFFFF, v2  }
0x272: {  	v20 =	vld [tilespmem:$0x1F728];
	vm6 =	vlt.u32 v4, $0xF4240;
	[tilespmem:$0x1F928] =	vst v2;
	v2 =	vnsel vm5, $0xFFFFFFFF, v3;
	v3 =	vsub.s32 v5, v0  }
0x273: {  	v22 =	vld [tilespmem:$0x1F738];
	v21 =	vsub.s32 v6, v0;
	[tilespmem:$0x1F938] =	vst v2;
	v2 =	vnsel vm6, $0xFFFFFFFF, v4;
	vm7 =	vlt.u32 v3, $0xF4240  }
0x274: {  	v23 =	vld [tilespmem:$0x1F748];
	vm8 =	vlt.u32 v21, $0xF4240;
	[tilespmem:$0x1F948] =	vst v2;
	v2 =	vnsel vm7, $0xFFFFFFFF, v3;
	v3 =	vsub.s32 v7, v0  }
0x275: {  	v25 =	vld [tilespmem:$0x1F758];
	v24 =	vsub.s32 v8, v0;
	[tilespmem:$0x1F958] =	vst v2;
	v2 =	vnsel vm8, $0xFFFFFFFF, v21;
	vm9 =	vlt.u32 v3, $0xF4240  }
0x276: {  	v26 =	vld [tilespmem:$0x1F768];
	vm10 =	vlt.u32 v24, $0xF4240;
	[tilespmem:$0x1F968] =	vst v2;
	v2 =	vnsel vm9, $0xFFFFFFFF, v3;
	v3 =	vsub.s32 v9, v0  }
0x277: {  	v28 =	vld [tilespmem:$0x1F778];
	v27 =	vsub.s32 v20, v0;
	[tilespmem:$0x1F978] =	vst v2;
	v2 =	vnsel vm10, $0xFFFFFFFF, v24;
	vm11 =	vlt.u32 v3, $0xF4240  }
0x278: {  	v29 =	vld [tilespmem:$0x1F788];
	vm12 =	vlt.u32 v27, $0xF4240;
	[tilespmem:$0x1F988] =	vst v2;
	v2 =	vnsel vm11, $0xFFFFFFFF, v3;
	v3 =	vsub.s32 v22, v0  }
0x279: {  	v31 =	vld [tilespmem:$0x1F798];
	v30 =	vsub.s32 v23, v0;
	[tilespmem:$0x1F998] =	vst v2;
	v2 =	vnsel vm12, $0xFFFFFFFF, v27;
	vm13 =	vlt.u32 v3, $0xF4240  }
0x27a: {  	v32 =	vld [tilespmem:$0x1F7A8];
	vm14 =	vlt.u32 v30, $0xF4240;
	[tilespmem:$0x1F9A8] =	vst v2;
	v2 =	vnsel vm13, $0xFFFFFFFF, v3;
	v3 =	vsub.s32 v25, v0  }
0x27b: {  	v34 =	vld [tilespmem:$0x1F7B8];
	v33 =	vsub.s32 v26, v0;
	[tilespmem:$0x1F9B8] =	vst v2;
	v2 =	vnsel vm14, $0xFFFFFFFF, v30;
	vm15 =	vlt.u32 v3, $0xF4240  }
0x27c: {  	v35 =	vld [tilespmem:$0x1F7C8];
	vm4 =	vlt.u32 v33, $0xF4240;
	[tilespmem:$0x1F9C8] =	vst v2;
	v2 =	vnsel vm15, $0xFFFFFFFF, v3;
	v3 =	vsub.s32 v28, v0  }
0x27d: {  	v37 =	vld [tilespmem:$0x1F7D8];
	v36 =	vsub.s32 v29, v0;
	[tilespmem:$0x1F9D8] =	vst v2;
	v2 =	vnsel vm4, $0xFFFFFFFF, v33;
	vm5 =	vlt.u32 v3, $0xF4240  }
0x27e: {  	v38 =	vld [tilespmem:$0x1F7E8];
	vm6 =	vlt.u32 v36, $0xF4240;
	[tilespmem:$0x1F9E8] =	vst v2;
	v2 =	vnsel vm5, $0xFFFFFFFF, v3;
	v3 =	vsub.s32 v31, v0  }
0x27f: {  	v40 =	vld [tilespmem:$0x1F7F8];
	v39 =	vsub.s32 v32, v0;
	[tilespmem:$0x1F9F8] =	vst v2;
	v2 =	vnsel vm6, $0xFFFFFFFF, v36;
	vm7 =	vlt.u32 v3, $0xF4240  }
0x280: {  	v41 =	vld [tilespmem:$0x1F808];
	vm8 =	vlt.u32 v39, $0xF4240;
	[tilespmem:$0x1FA08] =	vst v2;
	v2 =	vnsel vm7, $0xFFFFFFFF, v3;
	v3 =	vsub.s32 v34, v0  }
0x281: {  	v43 =	vld [tilespmem:$0x1F818];
	v42 =	vsub.s32 v35, v0;
	[tilespmem:$0x1FA18] =	vst v2;
	v2 =	vnsel vm8, $0xFFFFFFFF, v39;
	vm9 =	vlt.u32 v3, $0xF4240  }
0x282: {  	v44 =	vld [tilespmem:$0x1F828];
	vm10 =	vlt.u32 v42, $0xF4240;
	[tilespmem:$0x1FA28] =	vst v2;
	v2 =	vnsel vm9, $0xFFFFFFFF, v3;
	v3 =	vsub.s32 v37, v0  }
0x283: {  	v46 =	vld [tilespmem:$0x1F838];
	v45 =	vsub.s32 v38, v0;
	[tilespmem:$0x1FA38] =	vst v2;
	v2 =	vnsel vm10, $0xFFFFFFFF, v42;
	vm11 =	vlt.u32 v3, $0xF4240  }
0x284: {  	v47 =	vld [tilespmem:$0x1F848];
	vm12 =	vlt.u32 v45, $0xF4240;
	[tilespmem:$0x1FA48] =	vst v2;
	v2 =	vnsel vm11, $0xFFFFFFFF, v3;
	v3 =	vsub.s32 v40, v0  }
0x285: {  	v49 =	vld [tilespmem:$0x1F858];
	v48 =	vsub.s32 v41, v0;
	[tilespmem:$0x1FA58] =	vst v2;
	v2 =	vnsel vm12, $0xFFFFFFFF, v45;
	vm13 =	vlt.u32 v3, $0xF4240  }
0x286: {  	v50 =	vld [tilespmem:$0x1F868];
	vm14 =	vlt.u32 v48, $0xF4240;
	[tilespmem:$0x1FA68] =	vst v2;
	v2 =	vnsel vm13, $0xFFFFFFFF, v3;
	v3 =	vsub.s32 v43, v0  }
0x287: {  	v52 =	vld [tilespmem:$0x1F878];
	v51 =	vsub.s32 v44, v0;
	[tilespmem:$0x1FA78] =	vst v2;
	v2 =	vnsel vm14, $0xFFFFFFFF, v48;
	vm15 =	vlt.u32 v3, $0xF4240  }
0x288: {  	v53 =	vld [tilespmem:$0x1F888];
	vm4 =	vlt.u32 v51, $0xF4240;
	[tilespmem:$0x1FA88] =	vst v2;
	v2 =	vnsel vm15, $0xFFFFFFFF, v3;
	v3 =	vsub.s32 v46, v0  }
0x289: {  	v55 =	vld [tilespmem:$0x1F898];
	v54 =	vsub.s32 v47, v0;
	[tilespmem:$0x1FA98] =	vst v2;
	v2 =	vnsel vm4, $0xFFFFFFFF, v51;
	vm5 =	vlt.u32 v3, $0xF4240  }
0x28a: {  	v56 =	vld [tilespmem:$0x1F8A8];
	vm6 =	vlt.u32 v54, $0xF4240;
	[tilespmem:$0x1FAA8] =	vst v2;
	v2 =	vnsel vm5, $0xFFFFFFFF, v3;
	v3 =	vsub.s32 v49, v0  }
0x28b: {  	v58 =	vld [tilespmem:$0x1F8B8];
	v57 =	vsub.s32 v50, v0;
	[tilespmem:$0x1FAB8] =	vst v2;
	v2 =	vnsel vm6, $0xFFFFFFFF, v54;
	vm7 =	vlt.u32 v3, $0xF4240  }
0x28c: {  	v59 =	vld [tilespmem:$0x1F8C8];
	vm8 =	vlt.u32 v57, $0xF4240;
	[tilespmem:$0x1FAC8] =	vst v2;
	v2 =	vnsel vm7, $0xFFFFFFFF, v3;
	v3 =	vsub.s32 v52, v0  }
0x28d: {  	v61 =	vld [tilespmem:$0x1F8D8];
	v60 =	vsub.s32 v53, v0;
	[tilespmem:$0x1FAD8] =	vst v2;
	v2 =	vnsel vm8, $0xFFFFFFFF, v57;
	vm9 =	vlt.u32 v3, $0xF4240  }
0x28e: {  	vm10 =	vlt.u32 v60, $0xF4240;
	[tilespmem:$0x1FAE8] =	vst v2;
	v2 =	vnsel vm9, $0xFFFFFFFF, v3;
	v3 =	vsub.s32 v55, v0  }
0x28f: {  	v62 =	vsub.s32 v56, v0;
	[tilespmem:$0x1FAF8] =	vst v2;
	v2 =	vnsel vm10, $0xFFFFFFFF, v60;
	vm11 =	vlt.u32 v3, $0xF4240  }
0x290: {  	vm12 =	vlt.u32 v62, $0xF4240;
	[tilespmem:$0x1FB08] =	vst v2;
	v2 =	vnsel vm11, $0xFFFFFFFF, v3;
	v3 =	vsub.s32 v58, v0  }
0x291: {  	v63 =	vsub.s32 v59, v0;
	[tilespmem:$0x1FB18] =	vst v2;
	v2 =	vnsel vm12, $0xFFFFFFFF, v62;
	vm13 =	vlt.u32 v3, $0xF4240  }
0x292: {  	vm14 =	vlt.u32 v63, $0xF4240;
	[tilespmem:$0x1FB28] =	vst v2;
	v2 =	vnsel vm13, $0xFFFFFFFF, v3;
	v3 =	vsub.s32 v61, v0  }
0x293: {  	[tilespmem:$0x1FB38] =	vst v2;
	v2 =	vnsel vm14, $0xFFFFFFFF, v63;
	vm15 =	vlt.u32 v3, $0xF4240  }
0x294: {  	[tilespmem:$0x1FB48] =	vst v2;
	v2 =	vnsel vm15, $0xFFFFFFFF, v3  }
0x295: {  	s31 =	simm.s32 $0x1F928;
	[tilespmem:$0x1FB58] =	vst v2;
	(ifvalue) =	ssetifvalue $0xFFFFFFFF  }
0x296: {  	s13 =	simm.s32 $0x1FBA8;
	(ifvalue) =	ssetifvalue $0xFFFFFFFF;
	s26 =	rddreg [dreg:$0x3]  }
0x297: {  	[spmem:s26] =	stream.indirect.scatter [tilespmem:s13], [sflag:$0x3], $0x1, s31, s4, $0x40b8;
	[tilespmem:$0x1FE28] =	vst v63  }
0x298: {  	_ =	swait.ge [sflag:s12], $0x240  }
.Ltmp11:
0x299: {  	s28 =	rddreg [dreg:$0xf];
	(pc) =	sbr.rel .LBB2_15-.Ltmp11, $4  }
0x29a: {  	s26 =	rddreg [dreg:$0x11]  }
0x29b: {  	s20 =	rddreg [dreg:$0x13]  }
0x29c: {  	s15 =	smov.u32 s16;
	[sflag:s12] =	ssyncset.done $0x0;
	s7 =	rddreg [dreg:$0x16]  }
0x29d: {  	s13 =	smov.u32 s6;
	s1 =	rddreg [dreg:$0x15];
	[sflag:s12] =	ssyncadd.s32 $0xFFFFFDC0  }
.LBB2_16:
0x29e: {  	_ =	sfence.sel $0x180000  }
0x29f: {  	[bflag:$0x0] =	sbarrier.arrive $0xFFFF  }
0x2a0: {  	_ =	strace $0x90000047  }
0x2a1: {  	s0 =	stileid.u32;
	[bflag:$0x2] =	sbarrier.arrive $0xFFFF  }
0x2a2: {  	p0 =	sne.s32 s0, $0x0;
	s0 =	rddreg [dreg:$0x4]  }
0x2a3: {  	s0 =	sadd.s32 @!p0 $0x100000, s0  }
0x2a4: {  	[sflag:s0] =	ssyncadd.tile.s32 @!p0 $0x1;
	_ =	shalt  }
.Lfunc_end2:
_tile_overlayer_lowered:
.L_overlay_start_2:
0x2a5: {  	(tag) =	ssettag $0x2  }
0x2a6: {  	s0 =	rddreg [dreg:$0x0];
	s2 =	stileid.u32  }
0x2a7: {  	s1 =	rddreg [dreg:$0x1];
	p0 =	sne.s32 s2, $0x0  }
0x2a8: {  	s3 =	rddreg [dreg:$0x2];
	[bflag:$0x3] =	sbarrier.arrive $0xFFFF;
	s2 =	simm.s32 @!p0 $0x1C05  }
0x2a9: {  	[timem:s3], [sflag:s2] =	dma.local @!p0 [hbm:s0], s1  }
0x2aa: {  	s0 =	simm.s32 @!p0 $0x5  }
0x2ab: {  	_ =	swait.ge @!p0 [sflag:s0], s1  }
0x2ac: {  	s1 =	ssub.s32 @!p0 $0x0, s1;
	[sflag:s0] =	ssyncset.done @!p0 $0x0  }
0x2ad: {  	[sflag:s0] =	ssyncadd.s32 @!p0 s1  }
0x2ae: {  	[bflag:$0x3] =	sbarrier.arrive $0xFFFF  }
0x2af: {  	_ =	shalt  }

</sc_bundles>
